<compile_context>
chip_gen: v7x
topology: tpu7x:2x2x1
jax: 0.10.2.dev20260603
libtpu: 0.0.44.dev20260713+nightly
codegen_flags: <defaults>
</compile_context>

<pallas_src>
import jax
import jax.numpy as jnp
from jax import lax
from jax.experimental import pallas as pl
from jax.experimental.pallas import tpu as pltpu
from jax.experimental.pallas import tpu_sc as plsc

N_NODES = 100000
N_MOVABLE = 90000
N_PINS = 3200000
N_NETS = 500000

NC, NS = 2, 16
NW = NC * NS
PIN_PER_W = N_PINS // NW
CHUNK = 4000
N_CHUNKS = PIN_PER_W // CHUNK

NET_PAD = 512000
F2P_PAD = 512016
NSEG = NET_PAD // NS
SUB = 8000



def _gather_body(n2p_hbm, p2n_hbm, w_hbm, f2p_hbm, out_hbm, idx_0, idx_1,
                 net_0, net_1, val_0, val_1, w_buf, f_buf, v_buf, v_sp,
                 sem_a, sem_b, sem_b2, sem_c, sem_d):
    sid = lax.axis_index("s")
    wid = lax.axis_index("c") * NS + sid
    pin0 = wid * PIN_PER_W
    idx_v = (idx_0, idx_1)
    net_v = (net_0, net_1)
    val_v = (val_0, val_1)

    for t in range(NSEG // SUB):
        g0 = sid * NSEG + t * SUB
        pltpu.sync_copy(w_hbm.at[pl.ds(g0, SUB)], w_buf)
        pltpu.sync_copy(f2p_hbm.at[pl.ds(g0, SUB + 16)], f_buf)

        def vec(i, carry):
            flo = f_buf[pl.ds(i * 16, 16)]
            fhi = f_buf[pl.ds(i * 16 + 1, 16)]
            d = fhi - flo
            w16 = jnp.maximum(w_buf[pl.ds(i * 16, 16)], 1.0)
            den = jnp.maximum(d - 1, 1).astype(jnp.float32)
            v_buf[pl.ds(i * 16, 16)] = jnp.where(d > 1, w16 / den, 0.0)
            return carry

        lax.fori_loop(0, SUB // 16, vec, 0)
        pltpu.sync_copy(v_buf, v_sp.at[pl.ds(g0, SUB)])
    plsc.subcore_barrier()

    def start_a(k, b):
        pltpu.async_copy(
            n2p_hbm.at[pl.ds(pin0 + k * CHUNK, CHUNK)], idx_v[b], sem_a)

    def wait_a(b):
        pltpu.make_async_copy(
            n2p_hbm.at[pl.ds(pin0, CHUNK)], idx_v[b], sem_a).wait()

    half = CHUNK // 2

    def start_b(b):
        pltpu.async_copy(p2n_hbm.at[idx_v[b].at[pl.ds(0, half)]],
                         net_v[b].at[pl.ds(0, half)], sem_b)
        pltpu.async_copy(p2n_hbm.at[idx_v[b].at[pl.ds(half, half)]],
                         net_v[b].at[pl.ds(half, half)], sem_b2)

    def wait_b(b):
        pltpu.make_async_copy(p2n_hbm.at[idx_v[b].at[pl.ds(0, half)]],
                              net_v[b].at[pl.ds(0, half)], sem_b).wait()
        pltpu.make_async_copy(p2n_hbm.at[idx_v[b].at[pl.ds(half, half)]],
                              net_v[b].at[pl.ds(half, half)], sem_b2).wait()

    def start_c(b):
        pltpu.async_copy(v_sp.at[net_v[b]], val_v[b], sem_c)

    def wait_c(b):
        pltpu.make_async_copy(v_sp.at[net_v[b]], val_v[b], sem_c).wait()

    def start_d(k, b):
        pltpu.async_copy(
            val_v[b], out_hbm.at[pl.ds(pin0 + k * CHUNK, CHUNK)], sem_d)

    def wait_d(b):
        pltpu.make_async_copy(
            val_v[b], out_hbm.at[pl.ds(pin0, CHUNK)], sem_d).wait()

    start_a(0, 0)

    def step(k0, carry):
        for u in (0, 1):
            k = 2 * k0 + u

            @pl.when((k >= 2) & (k < N_CHUNKS + 2))
            def _(k=k, u=u):
                wait_c(u)
                start_d(k - 2, u)

            @pl.when((k >= 3) & (k < N_CHUNKS + 3))
            def _(u=u):
                wait_d(1 - u)

            @pl.when((k >= 1) & (k < N_CHUNKS + 1))
            def _(u=u):
                wait_b(1 - u)
                start_c(1 - u)

            @pl.when(k < N_CHUNKS)
            def _(k=k, u=u):
                wait_a(u)
                start_b(u)

            @pl.when(k + 1 < N_CHUNKS)
            def _(k=k, u=u):
                start_a(k + 1, 1 - u)

        return carry

    lax.fori_loop(0, (N_CHUNKS + 4) // 2, step, 0)


def _build_gather():
    return pl.kernel(
        _gather_body,
        out_type=jax.ShapeDtypeStruct((N_PINS,), jnp.float32),
        mesh=plsc.VectorSubcoreMesh(
            core_axis_name="c", subcore_axis_name="s", num_cores=NC,
            num_subcores=NS,
        ),
        scratch_types=[
            pltpu.VMEM((CHUNK,), jnp.int32),
            pltpu.VMEM((CHUNK,), jnp.int32),
            pltpu.VMEM((CHUNK,), jnp.int32),
            pltpu.VMEM((CHUNK,), jnp.int32),
            pltpu.VMEM((CHUNK,), jnp.float32),
            pltpu.VMEM((CHUNK,), jnp.float32),
            pltpu.VMEM((SUB,), jnp.float32),
            pltpu.VMEM((SUB + 16,), jnp.int32),
            pltpu.VMEM((SUB,), jnp.float32),
            pltpu.VMEM_SHARED((NET_PAD,), jnp.float32),
            pltpu.SemaphoreType.DMA,
            pltpu.SemaphoreType.DMA,
            pltpu.SemaphoreType.DMA,
            pltpu.SemaphoreType.DMA,
            pltpu.SemaphoreType.DMA,
        ],
    )



ROWS = N_PINS // 128
RBLK = 5000
NBLK = ROWS // RBLK


def _scan_body(x_ref, y_ref, carry_ref):
    @pl.when(pl.program_id(0) == 0)
    def _():
        carry_ref[0, 0] = 0.0

    x = x_ref[...]
    r = lax.broadcasted_iota(jnp.int32, (128, 128), 0)
    col = lax.broadcasted_iota(jnp.int32, (128, 128), 1)
    tri = (r <= col).astype(jnp.float32)
    y = jnp.dot(x, tri, preferred_element_type=jnp.float32)
    t = y[:, 127:128]
    e = jnp.concatenate([jnp.zeros((1, 1), jnp.float32), t[:-1, :]], axis=0)
    k = 1
    while k < RBLK:
        e = e + jnp.concatenate(
            [jnp.zeros((k, 1), jnp.float32), e[:-k, :]], axis=0
        )
        k *= 2
    c = carry_ref[0, 0]
    y_ref[...] = y + e + c
    carry_ref[0, 0] = c + jnp.sum(t[RBLK - 1:, :]) + jnp.sum(e[RBLK - 1:, :])


def _scan(val2d):
    return pl.pallas_call(
        _scan_body,
        grid=(NBLK,),
        in_specs=[pl.BlockSpec((RBLK, 128), lambda i: (i, 0))],
        out_specs=pl.BlockSpec((RBLK, 128), lambda i: (i, 0)),
        out_shape=jax.ShapeDtypeStruct((ROWS, 128), jnp.float32),
        scratch_shapes=[pltpu.SMEM((1, 1), jnp.float32)],
    )(val2d)



NODES_PER_W = 3136
OUT_PAD = NW * NODES_PER_W
SPAD = NODES_PER_W + 16
START_PAD = (NW - 1) * NODES_PER_W + SPAD


def _bound_body(s_hbm, st_hbm, out_hbm, sv_ref, idx_ref, g_ref, ob_ref, sem):
    wid = lax.axis_index("c") * NS + lax.axis_index("s")
    lo = wid * NODES_PER_W
    pltpu.sync_copy(st_hbm.at[pl.ds(lo, SPAD)], sv_ref)

    def mk_idx(k, carry):
        sv = sv_ref[pl.ds(k * 16, 16)]
        idx_ref[pl.ds(k * 16, 16)] = jnp.maximum(sv - 1, 0)
        return carry

    lax.fori_loop(0, SPAD // 16, mk_idx, 0)
    pltpu.async_copy(s_hbm.at[idx_ref], g_ref, sem).wait()
    iot = lax.iota(jnp.int32, 16)

    def diff(k, carry):
        sv_a = sv_ref[pl.ds(k * 16, 16)]
        sv_b = sv_ref[pl.ds(k * 16 + 1, 16)]
        g_a = g_ref[pl.ds(k * 16, 16)]
        g_b = g_ref[pl.ds(k * 16 + 1, 16)]
        a = jnp.where(sv_a == 0, 0.0, g_a)
        b = jnp.where(sv_b == 0, 0.0, g_b)
        node = lo + k * 16 + iot
        ob_ref[pl.ds(k * 16, 16)] = jnp.where(node < N_MOVABLE, b - a, 0.0)
        return carry

    lax.fori_loop(0, NODES_PER_W // 16, diff, 0)
    pltpu.sync_copy(ob_ref, out_hbm.at[pl.ds(lo, NODES_PER_W)])


def _build_bound():
    return pl.kernel(
        _bound_body,
        out_type=jax.ShapeDtypeStruct((OUT_PAD,), jnp.float32),
        mesh=plsc.VectorSubcoreMesh(
            core_axis_name="c", subcore_axis_name="s", num_cores=NC,
            num_subcores=NS,
        ),
        scratch_types=[
            pltpu.VMEM((SPAD,), jnp.int32),
            pltpu.VMEM((SPAD,), jnp.int32),
            pltpu.VMEM((SPAD,), jnp.float32),
            pltpu.VMEM((NODES_PER_W,), jnp.float32),
            pltpu.SemaphoreType.DMA,
        ],
    )




def kernel(net_weights, flat_node2pin_start, flat_node2pin, pin2net_map,
           flat_net2pin):
    w_pad = jnp.pad(net_weights, (0, NET_PAD - N_NETS))
    f2p_pad = jnp.pad(flat_net2pin, (0, F2P_PAD - (N_NETS + 1)))
    val = _build_gather()(flat_node2pin, pin2net_map, w_pad, f2p_pad)
    s = _scan(val.reshape(ROWS, 128)).reshape(-1)
    stp = jnp.pad(flat_node2pin_start, (0, START_PAD - (N_NODES + 1)))
    return _build_bound()(s, stp)[:N_NODES]

# --- scband reference (transcript-rebuilt; emitter-appended) ---
"""Pipeline reference for scband-precond-wl-24764781429524 (READ-ONLY COPY).

The authoritative reference and input builder live on the scoring server;
editing this copy changes nothing except your own understanding.
"""

import jax, jax.numpy as jnp
import numpy as np

NUM_NODES = 100000
NUM_MOVABLE = 90000
NUM_PINS = 3200000
NUM_NETS = 500000

def setup_inputs(seed: int = 0) -> dict:
    key = jax.random.key(seed)
    k1, k2, k3, k4, k5 = jax.random.split(key, 5)
    net_weights = jax.random.uniform(k1, (NUM_NETS,), dtype=jnp.float32) * 2.0
    flat_node2pin_start = jnp.sort(jax.random.randint(k2, (NUM_NODES + 1,), 0, NUM_PINS, dtype=jnp.int32))
    flat_node2pin = jax.random.randint(k3, (NUM_PINS,), 0, NUM_PINS, dtype=jnp.int32)
    pin2net_map = jax.random.randint(k4, (NUM_PINS,), 0, NUM_NETS, dtype=jnp.int32)
    flat_net2pin = jnp.sort(jax.random.randint(k5, (NUM_NETS + 1,), 0, NUM_PINS, dtype=jnp.int32))
    return {
        "net_weights": net_weights,
        "flat_node2pin_start": flat_node2pin_start,
        "flat_node2pin": flat_node2pin,
        "pin2net_map": pin2net_map,
        "flat_net2pin": flat_net2pin,
    }


def reference(net_weights, flat_node2pin_start, flat_node2pin, pin2net_map, flat_net2pin):
    # out = zeros(num_nodes); net_weights clamped to min=1.0
    w = jnp.clip(net_weights, 1.0)
    P = flat_node2pin.shape[0]
    slots = jnp.arange(P, dtype=jnp.int32)
    # segment id for each pin slot j: the node i with start[i] <= j < start[i+1]
    seg = jnp.searchsorted(flat_node2pin_start, slots, side='right').astype(jnp.int32) - 1
    # only movable nodes are accumulated (kernel loops i in [0, num_movable_nodes))
    valid = (seg >= 0) & (seg < NUM_MOVABLE)
    net_id = jnp.take(pin2net_map, flat_node2pin)
    degree = jnp.take(flat_net2pin, net_id + 1) - jnp.take(flat_net2pin, net_id)
    denom = jnp.maximum(degree - 1, 1).astype(jnp.float32)
    contrib = jnp.where(valid & (degree > 1), jnp.take(w, net_id) / denom, 0.0)
    seg_c = jnp.clip(seg, 0, NUM_NODES - 1)
    out = jax.ops.segment_sum(contrib, seg_c, num_segments=NUM_NODES)
    return out

if __name__ == "__main__":
    import jax
    _d = setup_inputs()
    print(jax.jit(kernel)(*tuple(_d.values())))

</pallas_src>

<mosaic_0001>
#map = affine_map<(d0, d1) -> (0)>
module attributes {stable_mosaic.version = 14 : i64} {
  func.func @_bound_body(%arg0: i32, %arg1: i32, %arg2: memref<3200000xf32, #tpu.memory_space<hbm>>, %arg3: memref<100368xi32, #tpu.memory_space<hbm>>, %arg4: memref<100352xf32, #tpu.memory_space<hbm>>, %arg5: memref<3152xi32, #tpu.memory_space<vmem>>, %arg6: memref<3152xi32, #tpu.memory_space<vmem>>, %arg7: memref<3152xf32, #tpu.memory_space<vmem>>, %arg8: memref<3136xf32, #tpu.memory_space<vmem>>, %arg9: memref<!tpu.dma_semaphore, #tpu.memory_space<semaphore_mem>>) attributes {dimension_semantics = [#tpu.dimension_semantics<core_parallel>, #tpu.dimension_semantics<subcore_parallel>], iteration_bounds = array<i64: 2, 16>, scalar_prefetch = 0 : i64, scratch_operands = 5 : i64, tpu.core_type = #tpu.core_type<sc_vector_subcore>, window_params = [{transform_indices = #map}, {transform_indices = #map}, {transform_indices = #map}]} {
    %mul3A = arith.constant 16 : i32
    %mul3A_0 = arith.muli %arg0, %mul3A : i32
    %add3A = arith.addi %mul3A_0, %arg1 : i32
    %mul3A_1 = arith.constant 3136 : i32
    %mul3A_2 = arith.muli %add3A, %mul3A_1 : i32
    "tpu.region"() ({
      %run_scoped3A = tpu.sem_alloc : memref<!tpu.dma_semaphore, #tpu.memory_space<semaphore_mem>>
      %dma_start3A_16 = tpu.memref_slice %arg3[%mul3A_2] : memref<100368xi32, #tpu.memory_space<hbm>> -> memref<3152xi32, #tpu.memory_space<hbm>>
      %dma_start3A_17 = tpu.memref_slice %arg3[%mul3A_2] : memref<100368xi32, #tpu.memory_space<hbm>> -> memref<3152xi32, #tpu.memory_space<hbm>>
      tpu.enqueue_dma source(%dma_start3A_17 : memref<3152xi32, #tpu.memory_space<hbm>>) target(%arg5 : memref<3152xi32, #tpu.memory_space<vmem>>) target_semaphore(%run_scoped3A : memref<!tpu.dma_semaphore, #tpu.memory_space<semaphore_mem>>)
      %dma_wait3A_18 = tpu.memref_slice %arg3[%mul3A_2] : memref<100368xi32, #tpu.memory_space<hbm>> -> memref<3152xi32, #tpu.memory_space<hbm>>
      %dma_wait3A_19 = tpu.memref_slice %arg3[%mul3A_2] : memref<100368xi32, #tpu.memory_space<hbm>> -> memref<3152xi32, #tpu.memory_space<hbm>>
      tpu.wait_dma2 semaphore(%run_scoped3A : memref<!tpu.dma_semaphore, #tpu.memory_space<semaphore_mem>>) src(%dma_wait3A_19 : memref<3152xi32, #tpu.memory_space<hbm>>) dst(%arg5 : memref<3152xi32, #tpu.memory_space<vmem>>)
      tpu.yield
    }) : () -> ()
    %scan3A = arith.constant 0 : i32
    %scan3A_3 = arith.constant 0 : i32
    %scan3A_4 = arith.constant 197 : i32
    %scan3A_5 = arith.addi %scan3A_3, %scan3A_4 : i32
    %scan3A_6 = arith.constant 1 : i32
    scf.for %scan3A_16 = %scan3A_3 to %scan3A_5 step %scan3A_6  : i32 {
      %mul3A_17 = arith.constant 16 : i32
      %mul3A_18 = arith.muli %scan3A_16, %mul3A_17 : i32
      %get3A = arith.index_cast %mul3A_18 : i32 to index
      %get3A_19 = tpu.vector_load %arg5[%get3A] {strides = array<i32>} : memref<3152xi32, #tpu.memory_space<vmem>>, vector<16xi32>,
      %get3A_20 = vector.shape_cast %get3A_19 : vector<16xi32> to vector<16xi32>
      %sub3A = arith.constant 1 : i32
      %sub3A_21 = vector.broadcast %sub3A : i32 to vector<16xi32>
      %sub3A_22 = arith.subi %get3A_20, %sub3A_21 : vector<16xi32>
      %max3A = arith.constant 0 : i32
      %max3A_23 = vector.broadcast %max3A : i32 to vector<16xi32>
      %max3A_24 = arith.maxsi %sub3A_22, %max3A_23 : vector<16xi32>
      %mul3A_25 = arith.constant 16 : i32
      %mul3A_26 = arith.muli %scan3A_16, %mul3A_25 : i32
      %swap3A = arith.index_cast %mul3A_26 : i32 to index
      %swap3A_27 = tpu.vector_load %arg6[%swap3A] {strides = array<i32>} : memref<3152xi32, #tpu.memory_space<vmem>>, vector<16xi32>,
      %swap3A_28 = vector.shape_cast %swap3A_27 : vector<16xi32> to vector<16xi32>
      %swap3A_29 = vector.shape_cast %max3A_24 : vector<16xi32> to vector<16xi32>
      tpu.vector_store %arg6[%swap3A], %swap3A_29 {strides = array<i32>} : memref<3152xi32, #tpu.memory_space<vmem>>, vector<16xi32>,
    }
    %scan3A_7 = arith.constant 197 : i32
    %dma_start3A = arith.constant 0 : i32
    %dma_start3A_8 = tpu.memref_slice %arg2[%dma_start3A] : memref<3200000xf32, #tpu.memory_space<hbm>> -> memref<3200000xf32, #tpu.memory_space<hbm>>
    tpu.enqueue_indirect_dma source(%dma_start3A_8 : memref<3200000xf32, #tpu.memory_space<hbm>>) target(%arg7 : memref<3152xf32, #tpu.memory_space<vmem>>) offsets(%arg6 : memref<3152xi32, #tpu.memory_space<vmem>>) semaphore(%arg9 : memref<!tpu.dma_semaphore, #tpu.memory_space<semaphore_mem>>)
    %dma_wait3A = arith.constant 0 : i32
    %dma_wait3A_9 = tpu.memref_slice %arg2[%dma_wait3A] : memref<3200000xf32, #tpu.memory_space<hbm>> -> memref<3200000xf32, #tpu.memory_space<hbm>>
    tpu.wait_indirect_dma semaphore(%arg9 : memref<!tpu.dma_semaphore, #tpu.memory_space<semaphore_mem>>) src(%dma_wait3A_9 : memref<3200000xf32, #tpu.memory_space<hbm>>) dst(%arg7 : memref<3152xf32, #tpu.memory_space<vmem>>)
    %iota3A = tpu.iota {dimensions = array<i32: 0>} : vector<16xi32>
    %scan3A_10 = arith.constant 0 : i32
    %scan3A_11 = arith.constant 0 : i32
    %scan3A_12 = arith.constant 196 : i32
    %scan3A_13 = arith.addi %scan3A_11, %scan3A_12 : i32
    %scan3A_14 = arith.constant 1 : i32
    scf.for %scan3A_16 = %scan3A_11 to %scan3A_13 step %scan3A_14  : i32 {
      %mul3A_17 = arith.constant 16 : i32
      %mul3A_18 = arith.muli %scan3A_16, %mul3A_17 : i32
      %get3A = arith.index_cast %mul3A_18 : i32 to index
      %get3A_19 = tpu.vector_load %arg5[%get3A] {strides = array<i32>} : memref<3152xi32, #tpu.memory_space<vmem>>, vector<16xi32>,
      %get3A_20 = vector.shape_cast %get3A_19 : vector<16xi32> to vector<16xi32>
      %mul3A_21 = arith.constant 16 : i32
      %mul3A_22 = arith.muli %scan3A_16, %mul3A_21 : i32
      %add3A_23 = arith.constant 1 : i32
      %add3A_24 = arith.addi %mul3A_22, %add3A_23 : i32
      %get3A_25 = arith.index_cast %add3A_24 : i32 to index
      %get3A_26 = tpu.vector_load %arg5[%get3A_25] {strides = array<i32>} : memref<3152xi32, #tpu.memory_space<vmem>>, vector<16xi32>,
      %get3A_27 = vector.shape_cast %get3A_26 : vector<16xi32> to vector<16xi32>
      %mul3A_28 = arith.constant 16 : i32
      %mul3A_29 = arith.muli %scan3A_16, %mul3A_28 : i32
      %get3A_30 = arith.index_cast %mul3A_29 : i32 to index
      %get3A_31 = tpu.vector_load %arg7[%get3A_30] {strides = array<i32>} : memref<3152xf32, #tpu.memory_space<vmem>>, vector<16xf32>,
      %get3A_32 = vector.shape_cast %get3A_31 : vector<16xf32> to vector<16xf32>
      %mul3A_33 = arith.constant 16 : i32
      %mul3A_34 = arith.muli %scan3A_16, %mul3A_33 : i32
      %add3A_35 = arith.constant 1 : i32
      %add3A_36 = arith.addi %mul3A_34, %add3A_35 : i32
      %get3A_37 = arith.index_cast %add3A_36 : i32 to index
      %get3A_38 = tpu.vector_load %arg7[%get3A_37] {strides = array<i32>} : memref<3152xf32, #tpu.memory_space<vmem>>, vector<16xf32>,
      %get3A_39 = vector.shape_cast %get3A_38 : vector<16xf32> to vector<16xf32>
      %eq3A = arith.constant 0 : i32
      %eq3A_40 = vector.broadcast %eq3A : i32 to vector<16xi32>
      %eq3A_41 = arith.cmpi eq, %get3A_20, %eq3A_40 : vector<16xi32>
      %jit3A = arith.constant 0.000000e+00 : f32
      %broadcast_in_dim3A = vector.broadcast %jit3A : f32 to vector<16xf32>
      %select_n3A = arith.select %eq3A_41, %broadcast_in_dim3A, %get3A_32 : vector<16xi1>, vector<16xf32>
      %eq3A_42 = arith.constant 0 : i32
      %eq3A_43 = vector.broadcast %eq3A_42 : i32 to vector<16xi32>
      %eq3A_44 = arith.cmpi eq, %get3A_27, %eq3A_43 : vector<16xi32>
      %jit3A_45 = arith.constant 0.000000e+00 : f32
      %broadcast_in_dim3A_46 = vector.broadcast %jit3A_45 : f32 to vector<16xf32>
      %select_n3A_47 = arith.select %eq3A_44, %broadcast_in_dim3A_46, %get3A_39 : vector<16xi1>, vector<16xf32>
      %mul3A_48 = arith.constant 16 : i32
      %mul3A_49 = arith.muli %scan3A_16, %mul3A_48 : i32
      %add3A_50 = arith.addi %mul3A_2, %mul3A_49 : i32
      %add3A_51 = vector.broadcast %add3A_50 : i32 to vector<16xi32>
      %add3A_52 = arith.addi %add3A_51, %iota3A : vector<16xi32>
      %lt3A = arith.constant 90000 : i32
      %lt3A_53 = vector.broadcast %lt3A : i32 to vector<16xi32>
      %lt3A_54 = arith.cmpi slt, %add3A_52, %lt3A_53 : vector<16xi32>
      %sub3A = arith.subf %select_n3A_47, %select_n3A : vector<16xf32>
      %jit3A_55 = arith.constant 0.000000e+00 : f32
      %broadcast_in_dim3A_56 = vector.broadcast %jit3A_55 : f32 to vector<16xf32>
      %select_n3A_57 = arith.select %lt3A_54, %sub3A, %broadcast_in_dim3A_56 : vector<16xi1>, vector<16xf32>
      %mul3A_58 = arith.constant 16 : i32
      %mul3A_59 = arith.muli %scan3A_16, %mul3A_58 : i32
      %swap3A = arith.index_cast %mul3A_59 : i32 to index
      %swap3A_60 = tpu.vector_load %arg8[%swap3A] {strides = array<i32>} : memref<3136xf32, #tpu.memory_space<vmem>>, vector<16xf32>,
      %swap3A_61 = vector.shape_cast %swap3A_60 : vector<16xf32> to vector<16xf32>
      %swap3A_62 = vector.shape_cast %select_n3A_57 : vector<16xf32> to vector<16xf32>
      tpu.vector_store %arg8[%swap3A], %swap3A_62 {strides = array<i32>} : memref<3136xf32, #tpu.memory_space<vmem>>, vector<16xf32>,
    }
    %scan3A_15 = arith.constant 196 : i32
    "tpu.region"() ({
      %run_scoped3A = tpu.sem_alloc : memref<!tpu.dma_semaphore, #tpu.memory_space<semaphore_mem>>
      %dma_start3A_16 = tpu.memref_slice %arg4[%mul3A_2] : memref<100352xf32, #tpu.memory_space<hbm>> -> memref<3136xf32, #tpu.memory_space<hbm>>
      %dma_start3A_17 = tpu.memref_slice %arg4[%mul3A_2] : memref<100352xf32, #tpu.memory_space<hbm>> -> memref<3136xf32, #tpu.memory_space<hbm>>
      tpu.enqueue_dma source(%arg8 : memref<3136xf32, #tpu.memory_space<vmem>>) target(%dma_start3A_17 : memref<3136xf32, #tpu.memory_space<hbm>>) target_semaphore(%run_scoped3A : memref<!tpu.dma_semaphore, #tpu.memory_space<semaphore_mem>>)
      %dma_wait3A_18 = tpu.memref_slice %arg4[%mul3A_2] : memref<100352xf32, #tpu.memory_space<hbm>> -> memref<3136xf32, #tpu.memory_space<hbm>>
      %dma_wait3A_19 = tpu.memref_slice %arg4[%mul3A_2] : memref<100352xf32, #tpu.memory_space<hbm>> -> memref<3136xf32, #tpu.memory_space<hbm>>
      tpu.wait_dma2 semaphore(%run_scoped3A : memref<!tpu.dma_semaphore, #tpu.memory_space<semaphore_mem>>) src(%arg8 : memref<3136xf32, #tpu.memory_space<vmem>>) dst(%dma_wait3A_19 : memref<3136xf32, #tpu.memory_space<hbm>>)
      tpu.yield
    }) : () -> ()
    return
  }
}

#map = affine_map<(d0, d1) -> (0)>
module attributes {stable_mosaic.version = 14 : i64} {
  func.func @_gather_body(%arg0: i32, %arg1: i32, %arg2: memref<3200000xi32, #tpu.memory_space<hbm>>, %arg3: memref<3200000xi32, #tpu.memory_space<hbm>>, %arg4: memref<512000xf32, #tpu.memory_space<hbm>>, %arg5: memref<512016xi32, #tpu.memory_space<hbm>>, %arg6: memref<3200000xf32, #tpu.memory_space<hbm>>, %arg7: memref<4000xi32, #tpu.memory_space<vmem>>, %arg8: memref<4000xi32, #tpu.memory_space<vmem>>, %arg9: memref<4000xi32, #tpu.memory_space<vmem>>, %arg10: memref<4000xi32, #tpu.memory_space<vmem>>, %arg11: memref<4000xf32, #tpu.memory_space<vmem>>, %arg12: memref<4000xf32, #tpu.memory_space<vmem>>, %arg13: memref<8000xf32, #tpu.memory_space<vmem>>, %arg14: memref<8016xi32, #tpu.memory_space<vmem>>, %arg15: memref<8000xf32, #tpu.memory_space<vmem>>, %arg16: memref<512000xf32, #tpu.memory_space<vmem_shared>>, %arg17: memref<!tpu.dma_semaphore, #tpu.memory_space<semaphore_mem>>, %arg18: memref<!tpu.dma_semaphore, #tpu.memory_space<semaphore_mem>>, %arg19: memref<!tpu.dma_semaphore, #tpu.memory_space<semaphore_mem>>, %arg20: memref<!tpu.dma_semaphore, #tpu.memory_space<semaphore_mem>>, %arg21: memref<!tpu.dma_semaphore, #tpu.memory_space<semaphore_mem>>) attributes {dimension_semantics = [#tpu.dimension_semantics<core_parallel>, #tpu.dimension_semantics<subcore_parallel>], iteration_bounds = array<i64: 2, 16>, scalar_prefetch = 0 : i64, scratch_operands = 15 : i64, tpu.core_type = #tpu.core_type<sc_vector_subcore>, window_params = [{transform_indices = #map}, {transform_indices = #map}, {transform_indices = #map}, {transform_indices = #map}, {transform_indices = #map}]} {
    %mul3A = arith.constant 16 : i32
    %mul3A_0 = arith.muli %arg0, %mul3A : i32
    %add3A = arith.addi %mul3A_0, %arg1 : i32
    %mul3A_1 = arith.constant 100000 : i32
    %mul3A_2 = arith.muli %add3A, %mul3A_1 : i32
    %mul3A_3 = arith.constant 32000 : i32
    %mul3A_4 = arith.muli %arg1, %mul3A_3 : i32
    %add3A_5 = arith.constant 0 : i32
    %add3A_6 = arith.addi %mul3A_4, %add3A_5 : i32
    "tpu.region"() ({
      %run_scoped3A = tpu.sem_alloc : memref<!tpu.dma_semaphore, #tpu.memory_space<semaphore_mem>>
      %dma_start3A_51 = tpu.memref_slice %arg4[%add3A_6] : memref<512000xf32, #tpu.memory_space<hbm>> -> memref<8000xf32, #tpu.memory_space<hbm>>
      %dma_start3A_52 = tpu.memref_slice %arg4[%add3A_6] : memref<512000xf32, #tpu.memory_space<hbm>> -> memref<8000xf32, #tpu.memory_space<hbm>>
      tpu.enqueue_dma source(%dma_start3A_52 : memref<8000xf32, #tpu.memory_space<hbm>>) target(%arg13 : memref<8000xf32, #tpu.memory_space<vmem>>) target_semaphore(%run_scoped3A : memref<!tpu.dma_semaphore, #tpu.memory_space<semaphore_mem>>)
      %dma_wait3A = tpu.memref_slice %arg4[%add3A_6] : memref<512000xf32, #tpu.memory_space<hbm>> -> memref<8000xf32, #tpu.memory_space<hbm>>
      %dma_wait3A_53 = tpu.memref_slice %arg4[%add3A_6] : memref<512000xf32, #tpu.memory_space<hbm>> -> memref<8000xf32, #tpu.memory_space<hbm>>
      tpu.wait_dma2 semaphore(%run_scoped3A : memref<!tpu.dma_semaphore, #tpu.memory_space<semaphore_mem>>) src(%dma_wait3A_53 : memref<8000xf32, #tpu.memory_space<hbm>>) dst(%arg13 : memref<8000xf32, #tpu.memory_space<vmem>>)
      tpu.yield
    }) : () -> ()
    "tpu.region"() ({
      %run_scoped3A = tpu.sem_alloc : memref<!tpu.dma_semaphore, #tpu.memory_space<semaphore_mem>>
      %dma_start3A_51 = tpu.memref_slice %arg5[%add3A_6] : memref<512016xi32, #tpu.memory_space<hbm>> -> memref<8016xi32, #tpu.memory_space<hbm>>
      %dma_start3A_52 = tpu.memref_slice %arg5[%add3A_6] : memref<512016xi32, #tpu.memory_space<hbm>> -> memref<8016xi32, #tpu.memory_space<hbm>>
      tpu.enqueue_dma source(%dma_start3A_52 : memref<8016xi32, #tpu.memory_space<hbm>>) target(%arg14 : memref<8016xi32, #tpu.memory_space<vmem>>) target_semaphore(%run_scoped3A : memref<!tpu.dma_semaphore, #tpu.memory_space<semaphore_mem>>)
      %dma_wait3A = tpu.memref_slice %arg5[%add3A_6] : memref<512016xi32, #tpu.memory_space<hbm>> -> memref<8016xi32, #tpu.memory_space<hbm>>
      %dma_wait3A_53 = tpu.memref_slice %arg5[%add3A_6] : memref<512016xi32, #tpu.memory_space<hbm>> -> memref<8016xi32, #tpu.memory_space<hbm>>
      tpu.wait_dma2 semaphore(%run_scoped3A : memref<!tpu.dma_semaphore, #tpu.memory_space<semaphore_mem>>) src(%dma_wait3A_53 : memref<8016xi32, #tpu.memory_space<hbm>>) dst(%arg14 : memref<8016xi32, #tpu.memory_space<vmem>>)
      tpu.yield
    }) : () -> ()
    %scan3A = arith.constant 0 : i32
    %scan3A_7 = arith.constant 0 : i32
    %scan3A_8 = arith.constant 500 : i32
    %scan3A_9 = arith.addi %scan3A_7, %scan3A_8 : i32
    %scan3A_10 = arith.constant 1 : i32
    scf.for %scan3A_51 = %scan3A_7 to %scan3A_9 step %scan3A_10  : i32 {
      %mul3A_52 = arith.constant 16 : i32
      %mul3A_53 = arith.muli %scan3A_51, %mul3A_52 : i32
      %get3A = arith.index_cast %mul3A_53 : i32 to index
      %get3A_54 = tpu.vector_load %arg14[%get3A] {strides = array<i32>} : memref<8016xi32, #tpu.memory_space<vmem>>, vector<16xi32>,
      %get3A_55 = vector.shape_cast %get3A_54 : vector<16xi32> to vector<16xi32>
      %mul3A_56 = arith.constant 16 : i32
      %mul3A_57 = arith.muli %scan3A_51, %mul3A_56 : i32
      %add3A_58 = arith.constant 1 : i32
      %add3A_59 = arith.addi %mul3A_57, %add3A_58 : i32
      %get3A_60 = arith.index_cast %add3A_59 : i32 to index
      %get3A_61 = tpu.vector_load %arg14[%get3A_60] {strides = array<i32>} : memref<8016xi32, #tpu.memory_space<vmem>>, vector<16xi32>,
      %get3A_62 = vector.shape_cast %get3A_61 : vector<16xi32> to vector<16xi32>
      %sub3A = arith.subi %get3A_62, %get3A_55 : vector<16xi32>
      %mul3A_63 = arith.constant 16 : i32
      %mul3A_64 = arith.muli %scan3A_51, %mul3A_63 : i32
      %get3A_65 = arith.index_cast %mul3A_64 : i32 to index
      %get3A_66 = tpu.vector_load %arg13[%get3A_65] {strides = array<i32>} : memref<8000xf32, #tpu.memory_space<vmem>>, vector<16xf32>,
      %get3A_67 = vector.shape_cast %get3A_66 : vector<16xf32> to vector<16xf32>
      %max3A = arith.constant 1.000000e+00 : f32
      %max3A_68 = vector.broadcast %max3A : f32 to vector<16xf32>
      %max3A_69 = arith.maximumf %get3A_67, %max3A_68 : vector<16xf32>
      %sub3A_70 = arith.constant 1 : i32
      %sub3A_71 = vector.broadcast %sub3A_70 : i32 to vector<16xi32>
      %sub3A_72 = arith.subi %sub3A, %sub3A_71 : vector<16xi32>
      %max3A_73 = arith.constant 1 : i32
      %max3A_74 = vector.broadcast %max3A_73 : i32 to vector<16xi32>
      %max3A_75 = arith.maxsi %sub3A_72, %max3A_74 : vector<16xi32>
      %convert_element_type3A = arith.sitofp %max3A_75 : vector<16xi32> to vector<16xf32>
      %gt3A = arith.constant 1 : i32
      %gt3A_76 = vector.broadcast %gt3A : i32 to vector<16xi32>
      %gt3A_77 = arith.cmpi sgt, %sub3A, %gt3A_76 : vector<16xi32>
      %div3A = arith.divf %max3A_69, %convert_element_type3A : vector<16xf32>
      %jit3A = arith.constant 0.000000e+00 : f32
      %broadcast_in_dim3A = vector.broadcast %jit3A : f32 to vector<16xf32>
      %select_n3A = arith.select %gt3A_77, %div3A, %broadcast_in_dim3A : vector<16xi1>, vector<16xf32>
      %mul3A_78 = arith.constant 16 : i32
      %mul3A_79 = arith.muli %scan3A_51, %mul3A_78 : i32
      %swap3A = arith.index_cast %mul3A_79 : i32 to index
      %swap3A_80 = tpu.vector_load %arg15[%swap3A] {strides = array<i32>} : memref<8000xf32, #tpu.memory_space<vmem>>, vector<16xf32>,
      %swap3A_81 = vector.shape_cast %swap3A_80 : vector<16xf32> to vector<16xf32>
      %swap3A_82 = vector.shape_cast %select_n3A : vector<16xf32> to vector<16xf32>
      tpu.vector_store %arg15[%swap3A], %swap3A_82 {strides = array<i32>} : memref<8000xf32, #tpu.memory_space<vmem>>, vector<16xf32>,
    }
    %scan3A_11 = arith.constant 500 : i32
    "tpu.region"() ({
      %run_scoped3A = tpu.sem_alloc : memref<!tpu.dma_semaphore, #tpu.memory_space<semaphore_mem>>
      %dma_start3A_51 = tpu.memref_slice %arg16[%add3A_6] : memref<512000xf32, #tpu.memory_space<vmem_shared>> -> memref<8000xf32, #tpu.memory_space<vmem_shared>>
      %dma_start3A_52 = tpu.memref_slice %arg16[%add3A_6] : memref<512000xf32, #tpu.memory_space<vmem_shared>> -> memref<8000xf32, #tpu.memory_space<vmem_shared>>
      tpu.enqueue_dma source(%arg15 : memref<8000xf32, #tpu.memory_space<vmem>>) target(%dma_start3A_52 : memref<8000xf32, #tpu.memory_space<vmem_shared>>) target_semaphore(%run_scoped3A : memref<!tpu.dma_semaphore, #tpu.memory_space<semaphore_mem>>)
      %dma_wait3A = tpu.memref_slice %arg16[%add3A_6] : memref<512000xf32, #tpu.memory_space<vmem_shared>> -> memref<8000xf32, #tpu.memory_space<vmem_shared>>
      %dma_wait3A_53 = tpu.memref_slice %arg16[%add3A_6] : memref<512000xf32, #tpu.memory_space<vmem_shared>> -> memref<8000xf32, #tpu.memory_space<vmem_shared>>
      tpu.wait_dma2 semaphore(%run_scoped3A : memref<!tpu.dma_semaphore, #tpu.memory_space<semaphore_mem>>) src(%arg15 : memref<8000xf32, #tpu.memory_space<vmem>>) dst(%dma_wait3A_53 : memref<8000xf32, #tpu.memory_space<vmem_shared>>)
      tpu.yield
    }) : () -> ()
    %mul3A_12 = arith.constant 32000 : i32
    %mul3A_13 = arith.muli %arg1, %mul3A_12 : i32
    %add3A_14 = arith.constant 8000 : i32
    %add3A_15 = arith.addi %mul3A_13, %add3A_14 : i32
    "tpu.region"() ({
      %run_scoped3A = tpu.sem_alloc : memref<!tpu.dma_semaphore, #tpu.memory_space<semaphore_mem>>
      %dma_start3A_51 = tpu.memref_slice %arg4[%add3A_15] : memref<512000xf32, #tpu.memory_space<hbm>> -> memref<8000xf32, #tpu.memory_space<hbm>>
      %dma_start3A_52 = tpu.memref_slice %arg4[%add3A_15] : memref<512000xf32, #tpu.memory_space<hbm>> -> memref<8000xf32, #tpu.memory_space<hbm>>
      tpu.enqueue_dma source(%dma_start3A_52 : memref<8000xf32, #tpu.memory_space<hbm>>) target(%arg13 : memref<8000xf32, #tpu.memory_space<vmem>>) target_semaphore(%run_scoped3A : memref<!tpu.dma_semaphore, #tpu.memory_space<semaphore_mem>>)
      %dma_wait3A = tpu.memref_slice %arg4[%add3A_15] : memref<512000xf32, #tpu.memory_space<hbm>> -> memref<8000xf32, #tpu.memory_space<hbm>>
      %dma_wait3A_53 = tpu.memref_slice %arg4[%add3A_15] : memref<512000xf32, #tpu.memory_space<hbm>> -> memref<8000xf32, #tpu.memory_space<hbm>>
      tpu.wait_dma2 semaphore(%run_scoped3A : memref<!tpu.dma_semaphore, #tpu.memory_space<semaphore_mem>>) src(%dma_wait3A_53 : memref<8000xf32, #tpu.memory_space<hbm>>) dst(%arg13 : memref<8000xf32, #tpu.memory_space<vmem>>)
      tpu.yield
    }) : () -> ()
    "tpu.region"() ({
      %run_scoped3A = tpu.sem_alloc : memref<!tpu.dma_semaphore, #tpu.memory_space<semaphore_mem>>
      %dma_start3A_51 = tpu.memref_slice %arg5[%add3A_15] : memref<512016xi32, #tpu.memory_space<hbm>> -> memref<8016xi32, #tpu.memory_space<hbm>>
      %dma_start3A_52 = tpu.memref_slice %arg5[%add3A_15] : memref<512016xi32, #tpu.memory_space<hbm>> -> memref<8016xi32, #tpu.memory_space<hbm>>
      tpu.enqueue_dma source(%dma_start3A_52 : memref<8016xi32, #tpu.memory_space<hbm>>) target(%arg14 : memref<8016xi32, #tpu.memory_space<vmem>>) target_semaphore(%run_scoped3A : memref<!tpu.dma_semaphore, #tpu.memory_space<semaphore_mem>>)
      %dma_wait3A = tpu.memref_slice %arg5[%add3A_15] : memref<512016xi32, #tpu.memory_space<hbm>> -> memref<8016xi32, #tpu.memory_space<hbm>>
      %dma_wait3A_53 = tpu.memref_slice %arg5[%add3A_15] : memref<512016xi32, #tpu.memory_space<hbm>> -> memref<8016xi32, #tpu.memory_space<hbm>>
      tpu.wait_dma2 semaphore(%run_scoped3A : memref<!tpu.dma_semaphore, #tpu.memory_space<semaphore_mem>>) src(%dma_wait3A_53 : memref<8016xi32, #tpu.memory_space<hbm>>) dst(%arg14 : memref<8016xi32, #tpu.memory_space<vmem>>)
      tpu.yield
    }) : () -> ()
    %scan3A_16 = arith.constant 0 : i32
    %scan3A_17 = arith.constant 0 : i32
    %scan3A_18 = arith.constant 500 : i32
    %scan3A_19 = arith.addi %scan3A_17, %scan3A_18 : i32
    %scan3A_20 = arith.constant 1 : i32
    scf.for %scan3A_51 = %scan3A_17 to %scan3A_19 step %scan3A_20  : i32 {
      %mul3A_52 = arith.constant 16 : i32
      %mul3A_53 = arith.muli %scan3A_51, %mul3A_52 : i32
      %get3A = arith.index_cast %mul3A_53 : i32 to index
      %get3A_54 = tpu.vector_load %arg14[%get3A] {strides = array<i32>} : memref<8016xi32, #tpu.memory_space<vmem>>, vector<16xi32>,
      %get3A_55 = vector.shape_cast %get3A_54 : vector<16xi32> to vector<16xi32>
      %mul3A_56 = arith.constant 16 : i32
      %mul3A_57 = arith.muli %scan3A_51, %mul3A_56 : i32
      %add3A_58 = arith.constant 1 : i32
      %add3A_59 = arith.addi %mul3A_57, %add3A_58 : i32
      %get3A_60 = arith.index_cast %add3A_59 : i32 to index
      %get3A_61 = tpu.vector_load %arg14[%get3A_60] {strides = array<i32>} : memref<8016xi32, #tpu.memory_space<vmem>>, vector<16xi32>,
      %get3A_62 = vector.shape_cast %get3A_61 : vector<16xi32> to vector<16xi32>
      %sub3A = arith.subi %get3A_62, %get3A_55 : vector<16xi32>
      %mul3A_63 = arith.constant 16 : i32
      %mul3A_64 = arith.muli %scan3A_51, %mul3A_63 : i32
      %get3A_65 = arith.index_cast %mul3A_64 : i32 to index
      %get3A_66 = tpu.vector_load %arg13[%get3A_65] {strides = array<i32>} : memref<8000xf32, #tpu.memory_space<vmem>>, vector<16xf32>,
      %get3A_67 = vector.shape_cast %get3A_66 : vector<16xf32> to vector<16xf32>
      %max3A = arith.constant 1.000000e+00 : f32
      %max3A_68 = vector.broadcast %max3A : f32 to vector<16xf32>
      %max3A_69 = arith.maximumf %get3A_67, %max3A_68 : vector<16xf32>
      %sub3A_70 = arith.constant 1 : i32
      %sub3A_71 = vector.broadcast %sub3A_70 : i32 to vector<16xi32>
      %sub3A_72 = arith.subi %sub3A, %sub3A_71 : vector<16xi32>
      %max3A_73 = arith.constant 1 : i32
      %max3A_74 = vector.broadcast %max3A_73 : i32 to vector<16xi32>
      %max3A_75 = arith.maxsi %sub3A_72, %max3A_74 : vector<16xi32>
      %convert_element_type3A = arith.sitofp %max3A_75 : vector<16xi32> to vector<16xf32>
      %gt3A = arith.constant 1 : i32
      %gt3A_76 = vector.broadcast %gt3A : i32 to vector<16xi32>
      %gt3A_77 = arith.cmpi sgt, %sub3A, %gt3A_76 : vector<16xi32>
      %div3A = arith.divf %max3A_69, %convert_element_type3A : vector<16xf32>
      %jit3A = arith.constant 0.000000e+00 : f32
      %broadcast_in_dim3A = vector.broadcast %jit3A : f32 to vector<16xf32>
      %select_n3A = arith.select %gt3A_77, %div3A, %broadcast_in_dim3A : vector<16xi1>, vector<16xf32>
      %mul3A_78 = arith.constant 16 : i32
      %mul3A_79 = arith.muli %scan3A_51, %mul3A_78 : i32
      %swap3A = arith.index_cast %mul3A_79 : i32 to index
      %swap3A_80 = tpu.vector_load %arg15[%swap3A] {strides = array<i32>} : memref<8000xf32, #tpu.memory_space<vmem>>, vector<16xf32>,
      %swap3A_81 = vector.shape_cast %swap3A_80 : vector<16xf32> to vector<16xf32>
      %swap3A_82 = vector.shape_cast %select_n3A : vector<16xf32> to vector<16xf32>
      tpu.vector_store %arg15[%swap3A], %swap3A_82 {strides = array<i32>} : memref<8000xf32, #tpu.memory_space<vmem>>, vector<16xf32>,
    }
    %scan3A_21 = arith.constant 500 : i32
    "tpu.region"() ({
      %run_scoped3A = tpu.sem_alloc : memref<!tpu.dma_semaphore, #tpu.memory_space<semaphore_mem>>
      %dma_start3A_51 = tpu.memref_slice %arg16[%add3A_15] : memref<512000xf32, #tpu.memory_space<vmem_shared>> -> memref<8000xf32, #tpu.memory_space<vmem_shared>>
      %dma_start3A_52 = tpu.memref_slice %arg16[%add3A_15] : memref<512000xf32, #tpu.memory_space<vmem_shared>> -> memref<8000xf32, #tpu.memory_space<vmem_shared>>
      tpu.enqueue_dma source(%arg15 : memref<8000xf32, #tpu.memory_space<vmem>>) target(%dma_start3A_52 : memref<8000xf32, #tpu.memory_space<vmem_shared>>) target_semaphore(%run_scoped3A : memref<!tpu.dma_semaphore, #tpu.memory_space<semaphore_mem>>)
      %dma_wait3A = tpu.memref_slice %arg16[%add3A_15] : memref<512000xf32, #tpu.memory_space<vmem_shared>> -> memref<8000xf32, #tpu.memory_space<vmem_shared>>
      %dma_wait3A_53 = tpu.memref_slice %arg16[%add3A_15] : memref<512000xf32, #tpu.memory_space<vmem_shared>> -> memref<8000xf32, #tpu.memory_space<vmem_shared>>
      tpu.wait_dma2 semaphore(%run_scoped3A : memref<!tpu.dma_semaphore, #tpu.memory_space<semaphore_mem>>) src(%arg15 : memref<8000xf32, #tpu.memory_space<vmem>>) dst(%dma_wait3A_53 : memref<8000xf32, #tpu.memory_space<vmem_shared>>)
      tpu.yield
    }) : () -> ()
    %mul3A_22 = arith.constant 32000 : i32
    %mul3A_23 = arith.muli %arg1, %mul3A_22 : i32
    %add3A_24 = arith.constant 16000 : i32
    %add3A_25 = arith.addi %mul3A_23, %add3A_24 : i32
    "tpu.region"() ({
      %run_scoped3A = tpu.sem_alloc : memref<!tpu.dma_semaphore, #tpu.memory_space<semaphore_mem>>
      %dma_start3A_51 = tpu.memref_slice %arg4[%add3A_25] : memref<512000xf32, #tpu.memory_space<hbm>> -> memref<8000xf32, #tpu.memory_space<hbm>>
      %dma_start3A_52 = tpu.memref_slice %arg4[%add3A_25] : memref<512000xf32, #tpu.memory_space<hbm>> -> memref<8000xf32, #tpu.memory_space<hbm>>
      tpu.enqueue_dma source(%dma_start3A_52 : memref<8000xf32, #tpu.memory_space<hbm>>) target(%arg13 : memref<8000xf32, #tpu.memory_space<vmem>>) target_semaphore(%run_scoped3A : memref<!tpu.dma_semaphore, #tpu.memory_space<semaphore_mem>>)
      %dma_wait3A = tpu.memref_slice %arg4[%add3A_25] : memref<512000xf32, #tpu.memory_space<hbm>> -> memref<8000xf32, #tpu.memory_space<hbm>>
      %dma_wait3A_53 = tpu.memref_slice %arg4[%add3A_25] : memref<512000xf32, #tpu.memory_space<hbm>> -> memref<8000xf32, #tpu.memory_space<hbm>>
      tpu.wait_dma2 semaphore(%run_scoped3A : memref<!tpu.dma_semaphore, #tpu.memory_space<semaphore_mem>>) src(%dma_wait3A_53 : memref<8000xf32, #tpu.memory_space<hbm>>) dst(%arg13 : memref<8000xf32, #tpu.memory_space<vmem>>)
      tpu.yield
    }) : () -> ()
    "tpu.region"() ({
      %run_scoped3A = tpu.sem_alloc : memref<!tpu.dma_semaphore, #tpu.memory_space<semaphore_mem>>
      %dma_start3A_51 = tpu.memref_slice %arg5[%add3A_25] : memref<512016xi32, #tpu.memory_space<hbm>> -> memref<8016xi32, #tpu.memory_space<hbm>>
      %dma_start3A_52 = tpu.memref_slice %arg5[%add3A_25] : memref<512016xi32, #tpu.memory_space<hbm>> -> memref<8016xi32, #tpu.memory_space<hbm>>
      tpu.enqueue_dma source(%dma_start3A_52 : memref<8016xi32, #tpu.memory_space<hbm>>) target(%arg14 : memref<8016xi32, #tpu.memory_space<vmem>>) target_semaphore(%run_scoped3A : memref<!tpu.dma_semaphore, #tpu.memory_space<semaphore_mem>>)
      %dma_wait3A = tpu.memref_slice %arg5[%add3A_25] : memref<512016xi32, #tpu.memory_space<hbm>> -> memref<8016xi32, #tpu.memory_space<hbm>>
      %dma_wait3A_53 = tpu.memref_slice %arg5[%add3A_25] : memref<512016xi32, #tpu.memory_space<hbm>> -> memref<8016xi32, #tpu.memory_space<hbm>>
      tpu.wait_dma2 semaphore(%run_scoped3A : memref<!tpu.dma_semaphore, #tpu.memory_space<semaphore_mem>>) src(%dma_wait3A_53 : memref<8016xi32, #tpu.memory_space<hbm>>) dst(%arg14 : memref<8016xi32, #tpu.memory_space<vmem>>)
      tpu.yield
    }) : () -> ()
    %scan3A_26 = arith.constant 0 : i32
    %scan3A_27 = arith.constant 0 : i32
    %scan3A_28 = arith.constant 500 : i32
    %scan3A_29 = arith.addi %scan3A_27, %scan3A_28 : i32
    %scan3A_30 = arith.constant 1 : i32
    scf.for %scan3A_51 = %scan3A_27 to %scan3A_29 step %scan3A_30  : i32 {
      %mul3A_52 = arith.constant 16 : i32
      %mul3A_53 = arith.muli %scan3A_51, %mul3A_52 : i32
      %get3A = arith.index_cast %mul3A_53 : i32 to index
      %get3A_54 = tpu.vector_load %arg14[%get3A] {strides = array<i32>} : memref<8016xi32, #tpu.memory_space<vmem>>, vector<16xi32>,
      %get3A_55 = vector.shape_cast %get3A_54 : vector<16xi32> to vector<16xi32>
      %mul3A_56 = arith.constant 16 : i32
      %mul3A_57 = arith.muli %scan3A_51, %mul3A_56 : i32
      %add3A_58 = arith.constant 1 : i32
      %add3A_59 = arith.addi %mul3A_57, %add3A_58 : i32
      %get3A_60 = arith.index_cast %add3A_59 : i32 to index
      %get3A_61 = tpu.vector_load %arg14[%get3A_60] {strides = array<i32>} : memref<8016xi32, #tpu.memory_space<vmem>>, vector<16xi32>,
      %get3A_62 = vector.shape_cast %get3A_61 : vector<16xi32> to vector<16xi32>
      %sub3A = arith.subi %get3A_62, %get3A_55 : vector<16xi32>
      %mul3A_63 = arith.constant 16 : i32
      %mul3A_64 = arith.muli %scan3A_51, %mul3A_63 : i32
      %get3A_65 = arith.index_cast %mul3A_64 : i32 to index
      %get3A_66 = tpu.vector_load %arg13[%get3A_65] {strides = array<i32>} : memref<8000xf32, #tpu.memory_space<vmem>>, vector<16xf32>,
      %get3A_67 = vector.shape_cast %get3A_66 : vector<16xf32> to vector<16xf32>
      %max3A = arith.constant 1.000000e+00 : f32
      %max3A_68 = vector.broadcast %max3A : f32 to vector<16xf32>
      %max3A_69 = arith.maximumf %get3A_67, %max3A_68 : vector<16xf32>
      %sub3A_70 = arith.constant 1 : i32
      %sub3A_71 = vector.broadcast %sub3A_70 : i32 to vector<16xi32>
      %sub3A_72 = arith.subi %sub3A, %sub3A_71 : vector<16xi32>
      %max3A_73 = arith.constant 1 : i32
      %max3A_74 = vector.broadcast %max3A_73 : i32 to vector<16xi32>
      %max3A_75 = arith.maxsi %sub3A_72, %max3A_74 : vector<16xi32>
      %convert_element_type3A = arith.sitofp %max3A_75 : vector<16xi32> to vector<16xf32>
      %gt3A = arith.constant 1 : i32
      %gt3A_76 = vector.broadcast %gt3A : i32 to vector<16xi32>
      %gt3A_77 = arith.cmpi sgt, %sub3A, %gt3A_76 : vector<16xi32>
      %div3A = arith.divf %max3A_69, %convert_element_type3A : vector<16xf32>
      %jit3A = arith.constant 0.000000e+00 : f32
      %broadcast_in_dim3A = vector.broadcast %jit3A : f32 to vector<16xf32>
      %select_n3A = arith.select %gt3A_77, %div3A, %broadcast_in_dim3A : vector<16xi1>, vector<16xf32>
      %mul3A_78 = arith.constant 16 : i32
      %mul3A_79 = arith.muli %scan3A_51, %mul3A_78 : i32
      %swap3A = arith.index_cast %mul3A_79 : i32 to index
      %swap3A_80 = tpu.vector_load %arg15[%swap3A] {strides = array<i32>} : memref<8000xf32, #tpu.memory_space<vmem>>, vector<16xf32>,
      %swap3A_81 = vector.shape_cast %swap3A_80 : vector<16xf32> to vector<16xf32>
      %swap3A_82 = vector.shape_cast %select_n3A : vector<16xf32> to vector<16xf32>
      tpu.vector_store %arg15[%swap3A], %swap3A_82 {strides = array<i32>} : memref<8000xf32, #tpu.memory_space<vmem>>, vector<16xf32>,
    }
    %scan3A_31 = arith.constant 500 : i32
    "tpu.region"() ({
      %run_scoped3A = tpu.sem_alloc : memref<!tpu.dma_semaphore, #tpu.memory_space<semaphore_mem>>
      %dma_start3A_51 = tpu.memref_slice %arg16[%add3A_25] : memref<512000xf32, #tpu.memory_space<vmem_shared>> -> memref<8000xf32, #tpu.memory_space<vmem_shared>>
      %dma_start3A_52 = tpu.memref_slice %arg16[%add3A_25] : memref<512000xf32, #tpu.memory_space<vmem_shared>> -> memref<8000xf32, #tpu.memory_space<vmem_shared>>
      tpu.enqueue_dma source(%arg15 : memref<8000xf32, #tpu.memory_space<vmem>>) target(%dma_start3A_52 : memref<8000xf32, #tpu.memory_space<vmem_shared>>) target_semaphore(%run_scoped3A : memref<!tpu.dma_semaphore, #tpu.memory_space<semaphore_mem>>)
      %dma_wait3A = tpu.memref_slice %arg16[%add3A_25] : memref<512000xf32, #tpu.memory_space<vmem_shared>> -> memref<8000xf32, #tpu.memory_space<vmem_shared>>
      %dma_wait3A_53 = tpu.memref_slice %arg16[%add3A_25] : memref<512000xf32, #tpu.memory_space<vmem_shared>> -> memref<8000xf32, #tpu.memory_space<vmem_shared>>
      tpu.wait_dma2 semaphore(%run_scoped3A : memref<!tpu.dma_semaphore, #tpu.memory_space<semaphore_mem>>) src(%arg15 : memref<8000xf32, #tpu.memory_space<vmem>>) dst(%dma_wait3A_53 : memref<8000xf32, #tpu.memory_space<vmem_shared>>)
      tpu.yield
    }) : () -> ()
    %mul3A_32 = arith.constant 32000 : i32
    %mul3A_33 = arith.muli %arg1, %mul3A_32 : i32
    %add3A_34 = arith.constant 24000 : i32
    %add3A_35 = arith.addi %mul3A_33, %add3A_34 : i32
    "tpu.region"() ({
      %run_scoped3A = tpu.sem_alloc : memref<!tpu.dma_semaphore, #tpu.memory_space<semaphore_mem>>
      %dma_start3A_51 = tpu.memref_slice %arg4[%add3A_35] : memref<512000xf32, #tpu.memory_space<hbm>> -> memref<8000xf32, #tpu.memory_space<hbm>>
      %dma_start3A_52 = tpu.memref_slice %arg4[%add3A_35] : memref<512000xf32, #tpu.memory_space<hbm>> -> memref<8000xf32, #tpu.memory_space<hbm>>
      tpu.enqueue_dma source(%dma_start3A_52 : memref<8000xf32, #tpu.memory_space<hbm>>) target(%arg13 : memref<8000xf32, #tpu.memory_space<vmem>>) target_semaphore(%run_scoped3A : memref<!tpu.dma_semaphore, #tpu.memory_space<semaphore_mem>>)
      %dma_wait3A = tpu.memref_slice %arg4[%add3A_35] : memref<512000xf32, #tpu.memory_space<hbm>> -> memref<8000xf32, #tpu.memory_space<hbm>>
      %dma_wait3A_53 = tpu.memref_slice %arg4[%add3A_35] : memref<512000xf32, #tpu.memory_space<hbm>> -> memref<8000xf32, #tpu.memory_space<hbm>>
      tpu.wait_dma2 semaphore(%run_scoped3A : memref<!tpu.dma_semaphore, #tpu.memory_space<semaphore_mem>>) src(%dma_wait3A_53 : memref<8000xf32, #tpu.memory_space<hbm>>) dst(%arg13 : memref<8000xf32, #tpu.memory_space<vmem>>)
      tpu.yield
    }) : () -> ()
    "tpu.region"() ({
      %run_scoped3A = tpu.sem_alloc : memref<!tpu.dma_semaphore, #tpu.memory_space<semaphore_mem>>
      %dma_start3A_51 = tpu.memref_slice %arg5[%add3A_35] : memref<512016xi32, #tpu.memory_space<hbm>> -> memref<8016xi32, #tpu.memory_space<hbm>>
      %dma_start3A_52 = tpu.memref_slice %arg5[%add3A_35] : memref<512016xi32, #tpu.memory_space<hbm>> -> memref<8016xi32, #tpu.memory_space<hbm>>
      tpu.enqueue_dma source(%dma_start3A_52 : memref<8016xi32, #tpu.memory_space<hbm>>) target(%arg14 : memref<8016xi32, #tpu.memory_space<vmem>>) target_semaphore(%run_scoped3A : memref<!tpu.dma_semaphore, #tpu.memory_space<semaphore_mem>>)
      %dma_wait3A = tpu.memref_slice %arg5[%add3A_35] : memref<512016xi32, #tpu.memory_space<hbm>> -> memref<8016xi32, #tpu.memory_space<hbm>>
      %dma_wait3A_53 = tpu.memref_slice %arg5[%add3A_35] : memref<512016xi32, #tpu.memory_space<hbm>> -> memref<8016xi32, #tpu.memory_space<hbm>>
      tpu.wait_dma2 semaphore(%run_scoped3A : memref<!tpu.dma_semaphore, #tpu.memory_space<semaphore_mem>>) src(%dma_wait3A_53 : memref<8016xi32, #tpu.memory_space<hbm>>) dst(%arg14 : memref<8016xi32, #tpu.memory_space<vmem>>)
      tpu.yield
    }) : () -> ()
    %scan3A_36 = arith.constant 0 : i32
    %scan3A_37 = arith.constant 0 : i32
    %scan3A_38 = arith.constant 500 : i32
    %scan3A_39 = arith.addi %scan3A_37, %scan3A_38 : i32
    %scan3A_40 = arith.constant 1 : i32
    scf.for %scan3A_51 = %scan3A_37 to %scan3A_39 step %scan3A_40  : i32 {
      %mul3A_52 = arith.constant 16 : i32
      %mul3A_53 = arith.muli %scan3A_51, %mul3A_52 : i32
      %get3A = arith.index_cast %mul3A_53 : i32 to index
      %get3A_54 = tpu.vector_load %arg14[%get3A] {strides = array<i32>} : memref<8016xi32, #tpu.memory_space<vmem>>, vector<16xi32>,
      %get3A_55 = vector.shape_cast %get3A_54 : vector<16xi32> to vector<16xi32>
      %mul3A_56 = arith.constant 16 : i32
      %mul3A_57 = arith.muli %scan3A_51, %mul3A_56 : i32
      %add3A_58 = arith.constant 1 : i32
      %add3A_59 = arith.addi %mul3A_57, %add3A_58 : i32
      %get3A_60 = arith.index_cast %add3A_59 : i32 to index
      %get3A_61 = tpu.vector_load %arg14[%get3A_60] {strides = array<i32>} : memref<8016xi32, #tpu.memory_space<vmem>>, vector<16xi32>,
      %get3A_62 = vector.shape_cast %get3A_61 : vector<16xi32> to vector<16xi32>
      %sub3A = arith.subi %get3A_62, %get3A_55 : vector<16xi32>
      %mul3A_63 = arith.constant 16 : i32
      %mul3A_64 = arith.muli %scan3A_51, %mul3A_63 : i32
      %get3A_65 = arith.index_cast %mul3A_64 : i32 to index
      %get3A_66 = tpu.vector_load %arg13[%get3A_65] {strides = array<i32>} : memref<8000xf32, #tpu.memory_space<vmem>>, vector<16xf32>,
      %get3A_67 = vector.shape_cast %get3A_66 : vector<16xf32> to vector<16xf32>
      %max3A = arith.constant 1.000000e+00 : f32
      %max3A_68 = vector.broadcast %max3A : f32 to vector<16xf32>
      %max3A_69 = arith.maximumf %get3A_67, %max3A_68 : vector<16xf32>
      %sub3A_70 = arith.constant 1 : i32
      %sub3A_71 = vector.broadcast %sub3A_70 : i32 to vector<16xi32>
      %sub3A_72 = arith.subi %sub3A, %sub3A_71 : vector<16xi32>
      %max3A_73 = arith.constant 1 : i32
      %max3A_74 = vector.broadcast %max3A_73 : i32 to vector<16xi32>
      %max3A_75 = arith.maxsi %sub3A_72, %max3A_74 : vector<16xi32>
      %convert_element_type3A = arith.sitofp %max3A_75 : vector<16xi32> to vector<16xf32>
      %gt3A = arith.constant 1 : i32
      %gt3A_76 = vector.broadcast %gt3A : i32 to vector<16xi32>
      %gt3A_77 = arith.cmpi sgt, %sub3A, %gt3A_76 : vector<16xi32>
      %div3A = arith.divf %max3A_69, %convert_element_type3A : vector<16xf32>
      %jit3A = arith.constant 0.000000e+00 : f32
      %broadcast_in_dim3A = vector.broadcast %jit3A : f32 to vector<16xf32>
      %select_n3A = arith.select %gt3A_77, %div3A, %broadcast_in_dim3A : vector<16xi1>, vector<16xf32>
      %mul3A_78 = arith.constant 16 : i32
      %mul3A_79 = arith.muli %scan3A_51, %mul3A_78 : i32
      %swap3A = arith.index_cast %mul3A_79 : i32 to index
      %swap3A_80 = tpu.vector_load %arg15[%swap3A] {strides = array<i32>} : memref<8000xf32, #tpu.memory_space<vmem>>, vector<16xf32>,
      %swap3A_81 = vector.shape_cast %swap3A_80 : vector<16xf32> to vector<16xf32>
      %swap3A_82 = vector.shape_cast %select_n3A : vector<16xf32> to vector<16xf32>
      tpu.vector_store %arg15[%swap3A], %swap3A_82 {strides = array<i32>} : memref<8000xf32, #tpu.memory_space<vmem>>, vector<16xf32>,
    }
    %scan3A_41 = arith.constant 500 : i32
    "tpu.region"() ({
      %run_scoped3A = tpu.sem_alloc : memref<!tpu.dma_semaphore, #tpu.memory_space<semaphore_mem>>
      %dma_start3A_51 = tpu.memref_slice %arg16[%add3A_35] : memref<512000xf32, #tpu.memory_space<vmem_shared>> -> memref<8000xf32, #tpu.memory_space<vmem_shared>>
      %dma_start3A_52 = tpu.memref_slice %arg16[%add3A_35] : memref<512000xf32, #tpu.memory_space<vmem_shared>> -> memref<8000xf32, #tpu.memory_space<vmem_shared>>
      tpu.enqueue_dma source(%arg15 : memref<8000xf32, #tpu.memory_space<vmem>>) target(%dma_start3A_52 : memref<8000xf32, #tpu.memory_space<vmem_shared>>) target_semaphore(%run_scoped3A : memref<!tpu.dma_semaphore, #tpu.memory_space<semaphore_mem>>)
      %dma_wait3A = tpu.memref_slice %arg16[%add3A_35] : memref<512000xf32, #tpu.memory_space<vmem_shared>> -> memref<8000xf32, #tpu.memory_space<vmem_shared>>
      %dma_wait3A_53 = tpu.memref_slice %arg16[%add3A_35] : memref<512000xf32, #tpu.memory_space<vmem_shared>> -> memref<8000xf32, #tpu.memory_space<vmem_shared>>
      tpu.wait_dma2 semaphore(%run_scoped3A : memref<!tpu.dma_semaphore, #tpu.memory_space<semaphore_mem>>) src(%arg15 : memref<8000xf32, #tpu.memory_space<vmem>>) dst(%dma_wait3A_53 : memref<8000xf32, #tpu.memory_space<vmem_shared>>)
      tpu.yield
    }) : () -> ()
    %barrier3A = arith.constant 0 : index
    tpu.barrier barrier_id(%barrier3A)
    %add3A_42 = arith.constant 0 : i32
    %add3A_43 = arith.addi %mul3A_2, %add3A_42 : i32
    %dma_start3A = tpu.memref_slice %arg2[%add3A_43] : memref<3200000xi32, #tpu.memory_space<hbm>> -> memref<4000xi32, #tpu.memory_space<hbm>>
    %dma_start3A_44 = tpu.memref_slice %arg2[%add3A_43] : memref<3200000xi32, #tpu.memory_space<hbm>> -> memref<4000xi32, #tpu.memory_space<hbm>>
    tpu.enqueue_dma source(%dma_start3A_44 : memref<4000xi32, #tpu.memory_space<hbm>>) target(%arg7 : memref<4000xi32, #tpu.memory_space<vmem>>) target_semaphore(%arg17 : memref<!tpu.dma_semaphore, #tpu.memory_space<semaphore_mem>>)
    %scan3A_45 = arith.constant 0 : i32
    %scan3A_46 = arith.constant 0 : i32
    %scan3A_47 = arith.constant 14 : i32
    %scan3A_48 = arith.addi %scan3A_46, %scan3A_47 : i32
    %scan3A_49 = arith.constant 1 : i32
    scf.for %scan3A_51 = %scan3A_46 to %scan3A_48 step %scan3A_49  : i32 {
      %mul3A_52 = arith.constant 2 : i32
      %mul3A_53 = arith.muli %mul3A_52, %scan3A_51 : i32
      %add3A_54 = arith.constant 0 : i32
      %add3A_55 = arith.addi %mul3A_53, %add3A_54 : i32
      %ge3A = arith.constant 2 : i32
      %ge3A_56 = arith.cmpi sge, %add3A_55, %ge3A : i32
      %lt3A = arith.constant 27 : i32
      %lt3A_57 = arith.cmpi slt, %add3A_55, %lt3A : i32
      %and3A = arith.andi %ge3A_56, %lt3A_57 : i1
      %convert_element_type3A = arith.extui %and3A : i1 to i32
      %cond3A = arith.constant 0 : i32
      %cond3A_58 = arith.cmpi ne, %convert_element_type3A, %cond3A : i32
      scf.if %cond3A_58 {
        %dma_wait3A = arith.constant 0 : i32
        %dma_wait3A_127 = tpu.memref_slice %arg16[%dma_wait3A] : memref<512000xf32, #tpu.memory_space<vmem_shared>> -> memref<512000xf32, #tpu.memory_space<vmem_shared>>
        tpu.wait_indirect_dma semaphore(%arg20 : memref<!tpu.dma_semaphore, #tpu.memory_space<semaphore_mem>>) src(%dma_wait3A_127 : memref<512000xf32, #tpu.memory_space<vmem_shared>>) dst(%arg11 : memref<4000xf32, #tpu.memory_space<vmem>>)
        %sub3A = arith.constant 2 : i32
        %sub3A_128 = arith.subi %add3A_55, %sub3A : i32
        %mul3A_129 = arith.constant 4000 : i32
        %mul3A_130 = arith.muli %sub3A_128, %mul3A_129 : i32
        %add3A_131 = arith.addi %mul3A_2, %mul3A_130 : i32
        %dma_start3A_132 = tpu.memref_slice %arg6[%add3A_131] : memref<3200000xf32, #tpu.memory_space<hbm>> -> memref<4000xf32, #tpu.memory_space<hbm>>
        %dma_start3A_133 = tpu.memref_slice %arg6[%add3A_131] : memref<3200000xf32, #tpu.memory_space<hbm>> -> memref<4000xf32, #tpu.memory_space<hbm>>
        tpu.enqueue_dma source(%arg11 : memref<4000xf32, #tpu.memory_space<vmem>>) target(%dma_start3A_133 : memref<4000xf32, #tpu.memory_space<hbm>>) target_semaphore(%arg21 : memref<!tpu.dma_semaphore, #tpu.memory_space<semaphore_mem>>)
      } else {
      }
      %ge3A_59 = arith.constant 3 : i32
      %ge3A_60 = arith.cmpi sge, %add3A_55, %ge3A_59 : i32
      %lt3A_61 = arith.constant 28 : i32
      %lt3A_62 = arith.cmpi slt, %add3A_55, %lt3A_61 : i32
      %and3A_63 = arith.andi %ge3A_60, %lt3A_62 : i1
      %convert_element_type3A_64 = arith.extui %and3A_63 : i1 to i32
      %cond3A_65 = arith.constant 0 : i32
      %cond3A_66 = arith.cmpi ne, %convert_element_type3A_64, %cond3A_65 : i32
      scf.if %cond3A_66 {
        %dma_wait3A = tpu.memref_slice %arg6[%mul3A_2] : memref<3200000xf32, #tpu.memory_space<hbm>> -> memref<4000xf32, #tpu.memory_space<hbm>>
        %dma_wait3A_127 = tpu.memref_slice %arg6[%mul3A_2] : memref<3200000xf32, #tpu.memory_space<hbm>> -> memref<4000xf32, #tpu.memory_space<hbm>>
        tpu.wait_dma2 semaphore(%arg21 : memref<!tpu.dma_semaphore, #tpu.memory_space<semaphore_mem>>) src(%arg12 : memref<4000xf32, #tpu.memory_space<vmem>>) dst(%dma_wait3A_127 : memref<4000xf32, #tpu.memory_space<hbm>>)
      } else {
      }
      %ge3A_67 = arith.constant 1 : i32
      %ge3A_68 = arith.cmpi sge, %add3A_55, %ge3A_67 : i32
      %lt3A_69 = arith.constant 26 : i32
      %lt3A_70 = arith.cmpi slt, %add3A_55, %lt3A_69 : i32
      %and3A_71 = arith.andi %ge3A_68, %lt3A_70 : i1
      %convert_element_type3A_72 = arith.extui %and3A_71 : i1 to i32
      %cond3A_73 = arith.constant 0 : i32
      %cond3A_74 = arith.cmpi ne, %convert_element_type3A_72, %cond3A_73 : i32
      scf.if %cond3A_74 {
        %dma_wait3A = arith.constant 0 : i32
        %dma_wait3A_127 = tpu.memref_slice %arg10[%dma_wait3A] : memref<4000xi32, #tpu.memory_space<vmem>> -> memref<2000xi32, #tpu.memory_space<vmem>>
        %dma_wait3A_128 = arith.constant 0 : i32
        %dma_wait3A_129 = tpu.memref_slice %arg8[%dma_wait3A_128] : memref<4000xi32, #tpu.memory_space<vmem>> -> memref<2000xi32, #tpu.memory_space<vmem>>
        %dma_wait3A_130 = arith.constant 0 : i32
        %dma_wait3A_131 = tpu.memref_slice %arg3[%dma_wait3A_130] : memref<3200000xi32, #tpu.memory_space<hbm>> -> memref<3200000xi32, #tpu.memory_space<hbm>>
        tpu.wait_indirect_dma semaphore(%arg18 : memref<!tpu.dma_semaphore, #tpu.memory_space<semaphore_mem>>) src(%dma_wait3A_131 : memref<3200000xi32, #tpu.memory_space<hbm>>) dst(%dma_wait3A_127 : memref<2000xi32, #tpu.memory_space<vmem>>)
        %dma_wait3A_132 = arith.constant 2000 : i32
        %dma_wait3A_133 = tpu.memref_slice %arg10[%dma_wait3A_132] : memref<4000xi32, #tpu.memory_space<vmem>> -> memref<2000xi32, #tpu.memory_space<vmem>>
        %dma_wait3A_134 = arith.constant 2000 : i32
        %dma_wait3A_135 = tpu.memref_slice %arg8[%dma_wait3A_134] : memref<4000xi32, #tpu.memory_space<vmem>> -> memref<2000xi32, #tpu.memory_space<vmem>>
        %dma_wait3A_136 = arith.constant 0 : i32
        %dma_wait3A_137 = tpu.memref_slice %arg3[%dma_wait3A_136] : memref<3200000xi32, #tpu.memory_space<hbm>> -> memref<3200000xi32, #tpu.memory_space<hbm>>
        tpu.wait_indirect_dma semaphore(%arg19 : memref<!tpu.dma_semaphore, #tpu.memory_space<semaphore_mem>>) src(%dma_wait3A_137 : memref<3200000xi32, #tpu.memory_space<hbm>>) dst(%dma_wait3A_133 : memref<2000xi32, #tpu.memory_space<vmem>>)
        %dma_start3A_138 = arith.constant 0 : i32
        %dma_start3A_139 = tpu.memref_slice %arg16[%dma_start3A_138] : memref<512000xf32, #tpu.memory_space<vmem_shared>> -> memref<512000xf32, #tpu.memory_space<vmem_shared>>
        tpu.enqueue_indirect_dma source(%dma_start3A_139 : memref<512000xf32, #tpu.memory_space<vmem_shared>>) target(%arg12 : memref<4000xf32, #tpu.memory_space<vmem>>) offsets(%arg10 : memref<4000xi32, #tpu.memory_space<vmem>>) semaphore(%arg20 : memref<!tpu.dma_semaphore, #tpu.memory_space<semaphore_mem>>)
      } else {
      }
      %lt3A_75 = arith.constant 25 : i32
      %lt3A_76 = arith.cmpi slt, %add3A_55, %lt3A_75 : i32
      %convert_element_type3A_77 = arith.extui %lt3A_76 : i1 to i32
      %cond3A_78 = arith.constant 0 : i32
      %cond3A_79 = arith.cmpi ne, %convert_element_type3A_77, %cond3A_78 : i32
      scf.if %cond3A_79 {
        %dma_wait3A = tpu.memref_slice %arg2[%mul3A_2] : memref<3200000xi32, #tpu.memory_space<hbm>> -> memref<4000xi32, #tpu.memory_space<hbm>>
        %dma_wait3A_127 = tpu.memref_slice %arg2[%mul3A_2] : memref<3200000xi32, #tpu.memory_space<hbm>> -> memref<4000xi32, #tpu.memory_space<hbm>>
        tpu.wait_dma2 semaphore(%arg17 : memref<!tpu.dma_semaphore, #tpu.memory_space<semaphore_mem>>) src(%dma_wait3A_127 : memref<4000xi32, #tpu.memory_space<hbm>>) dst(%arg7 : memref<4000xi32, #tpu.memory_space<vmem>>)
        %dma_start3A_128 = arith.constant 0 : i32
        %dma_start3A_129 = tpu.memref_slice %arg9[%dma_start3A_128] : memref<4000xi32, #tpu.memory_space<vmem>> -> memref<2000xi32, #tpu.memory_space<vmem>>
        %dma_start3A_130 = arith.constant 0 : i32
        %dma_start3A_131 = tpu.memref_slice %arg7[%dma_start3A_130] : memref<4000xi32, #tpu.memory_space<vmem>> -> memref<2000xi32, #tpu.memory_space<vmem>>
        %dma_start3A_132 = arith.constant 0 : i32
        %dma_start3A_133 = tpu.memref_slice %arg3[%dma_start3A_132] : memref<3200000xi32, #tpu.memory_space<hbm>> -> memref<3200000xi32, #tpu.memory_space<hbm>>
        tpu.enqueue_indirect_dma source(%dma_start3A_133 : memref<3200000xi32, #tpu.memory_space<hbm>>) target(%dma_start3A_129 : memref<2000xi32, #tpu.memory_space<vmem>>) offsets(%dma_start3A_131 : memref<2000xi32, #tpu.memory_space<vmem>>) semaphore(%arg18 : memref<!tpu.dma_semaphore, #tpu.memory_space<semaphore_mem>>)
        %dma_start3A_134 = arith.constant 2000 : i32
        %dma_start3A_135 = tpu.memref_slice %arg9[%dma_start3A_134] : memref<4000xi32, #tpu.memory_space<vmem>> -> memref<2000xi32, #tpu.memory_space<vmem>>
        %dma_start3A_136 = arith.constant 2000 : i32
        %dma_start3A_137 = tpu.memref_slice %arg7[%dma_start3A_136] : memref<4000xi32, #tpu.memory_space<vmem>> -> memref<2000xi32, #tpu.memory_space<vmem>>
        %dma_start3A_138 = arith.constant 0 : i32
        %dma_start3A_139 = tpu.memref_slice %arg3[%dma_start3A_138] : memref<3200000xi32, #tpu.memory_space<hbm>> -> memref<3200000xi32, #tpu.memory_space<hbm>>
        tpu.enqueue_indirect_dma source(%dma_start3A_139 : memref<3200000xi32, #tpu.memory_space<hbm>>) target(%dma_start3A_135 : memref<2000xi32, #tpu.memory_space<vmem>>) offsets(%dma_start3A_137 : memref<2000xi32, #tpu.memory_space<vmem>>) semaphore(%arg19 : memref<!tpu.dma_semaphore, #tpu.memory_space<semaphore_mem>>)
      } else {
      }
      %add3A_80 = arith.constant 1 : i32
      %add3A_81 = arith.addi %add3A_55, %add3A_80 : i32
      %lt3A_82 = arith.constant 25 : i32
      %lt3A_83 = arith.cmpi slt, %add3A_81, %lt3A_82 : i32
      %convert_element_type3A_84 = arith.extui %lt3A_83 : i1 to i32
      %cond3A_85 = arith.constant 0 : i32
      %cond3A_86 = arith.cmpi ne, %convert_element_type3A_84, %cond3A_85 : i32
      scf.if %cond3A_86 {
        %add3A_127 = arith.constant 1 : i32
        %add3A_128 = arith.addi %add3A_55, %add3A_127 : i32
        %mul3A_129 = arith.constant 4000 : i32
        %mul3A_130 = arith.muli %add3A_128, %mul3A_129 : i32
        %add3A_131 = arith.addi %mul3A_2, %mul3A_130 : i32
        %dma_start3A_132 = tpu.memref_slice %arg2[%add3A_131] : memref<3200000xi32, #tpu.memory_space<hbm>> -> memref<4000xi32, #tpu.memory_space<hbm>>
        %dma_start3A_133 = tpu.memref_slice %arg2[%add3A_131] : memref<3200000xi32, #tpu.memory_space<hbm>> -> memref<4000xi32, #tpu.memory_space<hbm>>
        tpu.enqueue_dma source(%dma_start3A_133 : memref<4000xi32, #tpu.memory_space<hbm>>) target(%arg8 : memref<4000xi32, #tpu.memory_space<vmem>>) target_semaphore(%arg17 : memref<!tpu.dma_semaphore, #tpu.memory_space<semaphore_mem>>)
      } else {
      }
      %mul3A_87 = arith.constant 2 : i32
      %mul3A_88 = arith.muli %mul3A_87, %scan3A_51 : i32
      %add3A_89 = arith.constant 1 : i32
      %add3A_90 = arith.addi %mul3A_88, %add3A_89 : i32
      %ge3A_91 = arith.constant 2 : i32
      %ge3A_92 = arith.cmpi sge, %add3A_90, %ge3A_91 : i32
      %lt3A_93 = arith.constant 27 : i32
      %lt3A_94 = arith.cmpi slt, %add3A_90, %lt3A_93 : i32
      %and3A_95 = arith.andi %ge3A_92, %lt3A_94 : i1
      %convert_element_type3A_96 = arith.extui %and3A_95 : i1 to i32
      %cond3A_97 = arith.constant 0 : i32
      %cond3A_98 = arith.cmpi ne, %convert_element_type3A_96, %cond3A_97 : i32
      scf.if %cond3A_98 {
        %dma_wait3A = arith.constant 0 : i32
        %dma_wait3A_127 = tpu.memref_slice %arg16[%dma_wait3A] : memref<512000xf32, #tpu.memory_space<vmem_shared>> -> memref<512000xf32, #tpu.memory_space<vmem_shared>>
        tpu.wait_indirect_dma semaphore(%arg20 : memref<!tpu.dma_semaphore, #tpu.memory_space<semaphore_mem>>) src(%dma_wait3A_127 : memref<512000xf32, #tpu.memory_space<vmem_shared>>) dst(%arg12 : memref<4000xf32, #tpu.memory_space<vmem>>)
        %sub3A = arith.constant 2 : i32
        %sub3A_128 = arith.subi %add3A_90, %sub3A : i32
        %mul3A_129 = arith.constant 4000 : i32
        %mul3A_130 = arith.muli %sub3A_128, %mul3A_129 : i32
        %add3A_131 = arith.addi %mul3A_2, %mul3A_130 : i32
        %dma_start3A_132 = tpu.memref_slice %arg6[%add3A_131] : memref<3200000xf32, #tpu.memory_space<hbm>> -> memref<4000xf32, #tpu.memory_space<hbm>>
        %dma_start3A_133 = tpu.memref_slice %arg6[%add3A_131] : memref<3200000xf32, #tpu.memory_space<hbm>> -> memref<4000xf32, #tpu.memory_space<hbm>>
        tpu.enqueue_dma source(%arg12 : memref<4000xf32, #tpu.memory_space<vmem>>) target(%dma_start3A_133 : memref<4000xf32, #tpu.memory_space<hbm>>) target_semaphore(%arg21 : memref<!tpu.dma_semaphore, #tpu.memory_space<semaphore_mem>>)
      } else {
      }
      %ge3A_99 = arith.constant 3 : i32
      %ge3A_100 = arith.cmpi sge, %add3A_90, %ge3A_99 : i32
      %lt3A_101 = arith.constant 28 : i32
      %lt3A_102 = arith.cmpi slt, %add3A_90, %lt3A_101 : i32
      %and3A_103 = arith.andi %ge3A_100, %lt3A_102 : i1
      %convert_element_type3A_104 = arith.extui %and3A_103 : i1 to i32
      %cond3A_105 = arith.constant 0 : i32
      %cond3A_106 = arith.cmpi ne, %convert_element_type3A_104, %cond3A_105 : i32
      scf.if %cond3A_106 {
        %dma_wait3A = tpu.memref_slice %arg6[%mul3A_2] : memref<3200000xf32, #tpu.memory_space<hbm>> -> memref<4000xf32, #tpu.memory_space<hbm>>
        %dma_wait3A_127 = tpu.memref_slice %arg6[%mul3A_2] : memref<3200000xf32, #tpu.memory_space<hbm>> -> memref<4000xf32, #tpu.memory_space<hbm>>
        tpu.wait_dma2 semaphore(%arg21 : memref<!tpu.dma_semaphore, #tpu.memory_space<semaphore_mem>>) src(%arg11 : memref<4000xf32, #tpu.memory_space<vmem>>) dst(%dma_wait3A_127 : memref<4000xf32, #tpu.memory_space<hbm>>)
      } else {
      }
      %ge3A_107 = arith.constant 1 : i32
      %ge3A_108 = arith.cmpi sge, %add3A_90, %ge3A_107 : i32
      %lt3A_109 = arith.constant 26 : i32
      %lt3A_110 = arith.cmpi slt, %add3A_90, %lt3A_109 : i32
      %and3A_111 = arith.andi %ge3A_108, %lt3A_110 : i1
      %convert_element_type3A_112 = arith.extui %and3A_111 : i1 to i32
      %cond3A_113 = arith.constant 0 : i32
      %cond3A_114 = arith.cmpi ne, %convert_element_type3A_112, %cond3A_113 : i32
      scf.if %cond3A_114 {
        %dma_wait3A = arith.constant 0 : i32
        %dma_wait3A_127 = tpu.memref_slice %arg9[%dma_wait3A] : memref<4000xi32, #tpu.memory_space<vmem>> -> memref<2000xi32, #tpu.memory_space<vmem>>
        %dma_wait3A_128 = arith.constant 0 : i32
        %dma_wait3A_129 = tpu.memref_slice %arg7[%dma_wait3A_128] : memref<4000xi32, #tpu.memory_space<vmem>> -> memref<2000xi32, #tpu.memory_space<vmem>>
        %dma_wait3A_130 = arith.constant 0 : i32
        %dma_wait3A_131 = tpu.memref_slice %arg3[%dma_wait3A_130] : memref<3200000xi32, #tpu.memory_space<hbm>> -> memref<3200000xi32, #tpu.memory_space<hbm>>
        tpu.wait_indirect_dma semaphore(%arg18 : memref<!tpu.dma_semaphore, #tpu.memory_space<semaphore_mem>>) src(%dma_wait3A_131 : memref<3200000xi32, #tpu.memory_space<hbm>>) dst(%dma_wait3A_127 : memref<2000xi32, #tpu.memory_space<vmem>>)
        %dma_wait3A_132 = arith.constant 2000 : i32
        %dma_wait3A_133 = tpu.memref_slice %arg9[%dma_wait3A_132] : memref<4000xi32, #tpu.memory_space<vmem>> -> memref<2000xi32, #tpu.memory_space<vmem>>
        %dma_wait3A_134 = arith.constant 2000 : i32
        %dma_wait3A_135 = tpu.memref_slice %arg7[%dma_wait3A_134] : memref<4000xi32, #tpu.memory_space<vmem>> -> memref<2000xi32, #tpu.memory_space<vmem>>
        %dma_wait3A_136 = arith.constant 0 : i32
        %dma_wait3A_137 = tpu.memref_slice %arg3[%dma_wait3A_136] : memref<3200000xi32, #tpu.memory_space<hbm>> -> memref<3200000xi32, #tpu.memory_space<hbm>>
        tpu.wait_indirect_dma semaphore(%arg19 : memref<!tpu.dma_semaphore, #tpu.memory_space<semaphore_mem>>) src(%dma_wait3A_137 : memref<3200000xi32, #tpu.memory_space<hbm>>) dst(%dma_wait3A_133 : memref<2000xi32, #tpu.memory_space<vmem>>)
        %dma_start3A_138 = arith.constant 0 : i32
        %dma_start3A_139 = tpu.memref_slice %arg16[%dma_start3A_138] : memref<512000xf32, #tpu.memory_space<vmem_shared>> -> memref<512000xf32, #tpu.memory_space<vmem_shared>>
        tpu.enqueue_indirect_dma source(%dma_start3A_139 : memref<512000xf32, #tpu.memory_space<vmem_shared>>) target(%arg11 : memref<4000xf32, #tpu.memory_space<vmem>>) offsets(%arg9 : memref<4000xi32, #tpu.memory_space<vmem>>) semaphore(%arg20 : memref<!tpu.dma_semaphore, #tpu.memory_space<semaphore_mem>>)
      } else {
      }
      %lt3A_115 = arith.constant 25 : i32
      %lt3A_116 = arith.cmpi slt, %add3A_90, %lt3A_115 : i32
      %convert_element_type3A_117 = arith.extui %lt3A_116 : i1 to i32
      %cond3A_118 = arith.constant 0 : i32
      %cond3A_119 = arith.cmpi ne, %convert_element_type3A_117, %cond3A_118 : i32
      scf.if %cond3A_119 {
        %dma_wait3A = tpu.memref_slice %arg2[%mul3A_2] : memref<3200000xi32, #tpu.memory_space<hbm>> -> memref<4000xi32, #tpu.memory_space<hbm>>
        %dma_wait3A_127 = tpu.memref_slice %arg2[%mul3A_2] : memref<3200000xi32, #tpu.memory_space<hbm>> -> memref<4000xi32, #tpu.memory_space<hbm>>
        tpu.wait_dma2 semaphore(%arg17 : memref<!tpu.dma_semaphore, #tpu.memory_space<semaphore_mem>>) src(%dma_wait3A_127 : memref<4000xi32, #tpu.memory_space<hbm>>) dst(%arg8 : memref<4000xi32, #tpu.memory_space<vmem>>)
        %dma_start3A_128 = arith.constant 0 : i32
        %dma_start3A_129 = tpu.memref_slice %arg10[%dma_start3A_128] : memref<4000xi32, #tpu.memory_space<vmem>> -> memref<2000xi32, #tpu.memory_space<vmem>>
        %dma_start3A_130 = arith.constant 0 : i32
        %dma_start3A_131 = tpu.memref_slice %arg8[%dma_start3A_130] : memref<4000xi32, #tpu.memory_space<vmem>> -> memref<2000xi32, #tpu.memory_space<vmem>>
        %dma_start3A_132 = arith.constant 0 : i32
        %dma_start3A_133 = tpu.memref_slice %arg3[%dma_start3A_132] : memref<3200000xi32, #tpu.memory_space<hbm>> -> memref<3200000xi32, #tpu.memory_space<hbm>>
        tpu.enqueue_indirect_dma source(%dma_start3A_133 : memref<3200000xi32, #tpu.memory_space<hbm>>) target(%dma_start3A_129 : memref<2000xi32, #tpu.memory_space<vmem>>) offsets(%dma_start3A_131 : memref<2000xi32, #tpu.memory_space<vmem>>) semaphore(%arg18 : memref<!tpu.dma_semaphore, #tpu.memory_space<semaphore_mem>>)
        %dma_start3A_134 = arith.constant 2000 : i32
        %dma_start3A_135 = tpu.memref_slice %arg10[%dma_start3A_134] : memref<4000xi32, #tpu.memory_space<vmem>> -> memref<2000xi32, #tpu.memory_space<vmem>>
        %dma_start3A_136 = arith.constant 2000 : i32
        %dma_start3A_137 = tpu.memref_slice %arg8[%dma_start3A_136] : memref<4000xi32, #tpu.memory_space<vmem>> -> memref<2000xi32, #tpu.memory_space<vmem>>
        %dma_start3A_138 = arith.constant 0 : i32
        %dma_start3A_139 = tpu.memref_slice %arg3[%dma_start3A_138] : memref<3200000xi32, #tpu.memory_space<hbm>> -> memref<3200000xi32, #tpu.memory_space<hbm>>
        tpu.enqueue_indirect_dma source(%dma_start3A_139 : memref<3200000xi32, #tpu.memory_space<hbm>>) target(%dma_start3A_135 : memref<2000xi32, #tpu.memory_space<vmem>>) offsets(%dma_start3A_137 : memref<2000xi32, #tpu.memory_space<vmem>>) semaphore(%arg19 : memref<!tpu.dma_semaphore, #tpu.memory_space<semaphore_mem>>)
      } else {
      }
      %add3A_120 = arith.constant 1 : i32
      %add3A_121 = arith.addi %add3A_90, %add3A_120 : i32
      %lt3A_122 = arith.constant 25 : i32
      %lt3A_123 = arith.cmpi slt, %add3A_121, %lt3A_122 : i32
      %convert_element_type3A_124 = arith.extui %lt3A_123 : i1 to i32
      %cond3A_125 = arith.constant 0 : i32
      %cond3A_126 = arith.cmpi ne, %convert_element_type3A_124, %cond3A_125 : i32
      scf.if %cond3A_126 {
        %add3A_127 = arith.constant 1 : i32
        %add3A_128 = arith.addi %add3A_90, %add3A_127 : i32
        %mul3A_129 = arith.constant 4000 : i32
        %mul3A_130 = arith.muli %add3A_128, %mul3A_129 : i32
        %add3A_131 = arith.addi %mul3A_2, %mul3A_130 : i32
        %dma_start3A_132 = tpu.memref_slice %arg2[%add3A_131] : memref<3200000xi32, #tpu.memory_space<hbm>> -> memref<4000xi32, #tpu.memory_space<hbm>>
        %dma_start3A_133 = tpu.memref_slice %arg2[%add3A_131] : memref<3200000xi32, #tpu.memory_space<hbm>> -> memref<4000xi32, #tpu.memory_space<hbm>>
        tpu.enqueue_dma source(%dma_start3A_133 : memref<4000xi32, #tpu.memory_space<hbm>>) target(%arg7 : memref<4000xi32, #tpu.memory_space<vmem>>) target_semaphore(%arg17 : memref<!tpu.dma_semaphore, #tpu.memory_space<semaphore_mem>>)
      } else {
      }
    }
    %scan3A_50 = arith.constant 14 : i32
    return
  }
}

module attributes {stable_mosaic.version = 14 : i64} {
  func.func @_scan_body(%arg0: i32, %arg1: memref<5000x128xf32, #tpu.memory_space<vmem>>, %arg2: memref<5000x128xf32, #tpu.memory_space<vmem>>, %arg3: memref<1x1xf32, #tpu.memory_space<smem>>) attributes {dimension_semantics = [#tpu.dimension_semantics<arbitrary>], iteration_bounds = array<i64: 5>, scalar_prefetch = 0 : i64, scratch_operands = 1 : i64, tpu.core_type = #tpu.core_type<tc>, window_params = [{transform_indices = @transform_0, window_bounds = array<i64: 5000, 128>}, {transform_indices = @transform_1, window_bounds = array<i64: 5000, 128>}]} {
    %eq3A = arith.constant 0 : i32
    %eq3A_0 = arith.cmpi eq, %arg0, %eq3A : i32
    %convert_element_type3A = arith.extui %eq3A_0 : i1 to i32
    %cond3A = arith.constant 0 : i32
    %cond3A_1 = arith.cmpi ne, %convert_element_type3A, %cond3A : i32
    scf.if %cond3A_1 {
      %swap3A_99 = arith.constant 0.000000e+00 : f32
      %swap3A_100 = arith.constant 0 : index
      %swap3A_101 = arith.constant 0 : index
      %swap3A_102 = memref.load %arg3[%swap3A_100, %swap3A_101] : memref<1x1xf32, #tpu.memory_space<smem>>
      memref.store %swap3A_99, %arg3[%swap3A_100, %swap3A_101] : memref<1x1xf32, #tpu.memory_space<smem>>
    } else {
    }
    %get3A = arith.constant 0 : index
    %get3A_2 = arith.constant 0 : index
    %get3A_3 = vector.load %arg1[%get3A, %get3A_2] : memref<5000x128xf32, #tpu.memory_space<vmem>>, vector<5000x128xf32>
    %iota3A = tpu.iota {dimensions = array<i32: 0>} : vector<128x128xi32>
    %iota3A_4 = tpu.iota {dimensions = array<i32: 1>} : vector<128x128xi32>
    %le3A = arith.cmpi sle, %iota3A, %iota3A_4 : vector<128x128xi32>
    %convert_element_type3A_5 = arith.extui %le3A : vector<128x128xi1> to vector<128x128xi32>
    %convert_element_type3A_6 = arith.sitofp %convert_element_type3A_5 : vector<128x128xi32> to vector<128x128xf32>
    %dot_general3A = arith.constant dense<0.000000e+00> : vector<5000x128xf32>
    %dot_general3A_7 = tpu.matmul %get3A_3, %convert_element_type3A_6, %dot_general3A {dimension_numbers = #tpu.dot_dimension_numbers<[1], [0], [0], [1], [0, 0, 1, 1], [], []>, transpose_lhs_hint = false} : vector<5000x128xf32>, vector<128x128xf32>, vector<5000x128xf32> -> vector<5000x128xf32>
    %slice3A = vector.extract_strided_slice %dot_general3A_7 {offsets = [0, 127], sizes = [5000, 1], strides = [1, 1]} : vector<5000x128xf32> to vector<5000x1xf32>
    %broadcast_in_dim3A = arith.constant 0.000000e+00 : f32
    %broadcast_in_dim3A_8 = vector.broadcast %broadcast_in_dim3A : f32 to vector<1x1xf32>
    %slice3A_9 = vector.extract_strided_slice %slice3A {offsets = [0, 0], sizes = [4999, 1], strides = [1, 1]} : vector<5000x1xf32> to vector<4999x1xf32>
    %concatenate3A = tpu.concatenate %broadcast_in_dim3A_8, %slice3A_9 in 0 : vector<1x1xf32>, vector<4999x1xf32> -> vector<5000x1xf32>
    %broadcast_in_dim3A_10 = arith.constant 0.000000e+00 : f32
    %broadcast_in_dim3A_11 = vector.broadcast %broadcast_in_dim3A_10 : f32 to vector<1x1xf32>
    %slice3A_12 = vector.extract_strided_slice %concatenate3A {offsets = [0, 0], sizes = [4999, 1], strides = [1, 1]} : vector<5000x1xf32> to vector<4999x1xf32>
    %concatenate3A_13 = tpu.concatenate %broadcast_in_dim3A_11, %slice3A_12 in 0 : vector<1x1xf32>, vector<4999x1xf32> -> vector<5000x1xf32>
    %add3A = arith.addf %concatenate3A, %concatenate3A_13 : vector<5000x1xf32>
    %broadcast_in_dim3A_14 = arith.constant 0.000000e+00 : f32
    %broadcast_in_dim3A_15 = vector.broadcast %broadcast_in_dim3A_14 : f32 to vector<2x1xf32>
    %slice3A_16 = vector.extract_strided_slice %add3A {offsets = [0, 0], sizes = [4998, 1], strides = [1, 1]} : vector<5000x1xf32> to vector<4998x1xf32>
    %concatenate3A_17 = tpu.concatenate %broadcast_in_dim3A_15, %slice3A_16 in 0 : vector<2x1xf32>, vector<4998x1xf32> -> vector<5000x1xf32>
    %add3A_18 = arith.addf %add3A, %concatenate3A_17 : vector<5000x1xf32>
    %broadcast_in_dim3A_19 = arith.constant 0.000000e+00 : f32
    %broadcast_in_dim3A_20 = vector.broadcast %broadcast_in_dim3A_19 : f32 to vector<4x1xf32>
    %slice3A_21 = vector.extract_strided_slice %add3A_18 {offsets = [0, 0], sizes = [4996, 1], strides = [1, 1]} : vector<5000x1xf32> to vector<4996x1xf32>
    %concatenate3A_22 = tpu.concatenate %broadcast_in_dim3A_20, %slice3A_21 in 0 : vector<4x1xf32>, vector<4996x1xf32> -> vector<5000x1xf32>
    %add3A_23 = arith.addf %add3A_18, %concatenate3A_22 : vector<5000x1xf32>
    %broadcast_in_dim3A_24 = arith.constant 0.000000e+00 : f32
    %broadcast_in_dim3A_25 = vector.broadcast %broadcast_in_dim3A_24 : f32 to vector<8x1xf32>
    %slice3A_26 = vector.extract_strided_slice %add3A_23 {offsets = [0, 0], sizes = [4992, 1], strides = [1, 1]} : vector<5000x1xf32> to vector<4992x1xf32>
    %concatenate3A_27 = tpu.concatenate %broadcast_in_dim3A_25, %slice3A_26 in 0 : vector<8x1xf32>, vector<4992x1xf32> -> vector<5000x1xf32>
    %add3A_28 = arith.addf %add3A_23, %concatenate3A_27 : vector<5000x1xf32>
    %broadcast_in_dim3A_29 = arith.constant 0.000000e+00 : f32
    %broadcast_in_dim3A_30 = vector.broadcast %broadcast_in_dim3A_29 : f32 to vector<16x1xf32>
    %slice3A_31 = vector.extract_strided_slice %add3A_28 {offsets = [0, 0], sizes = [4984, 1], strides = [1, 1]} : vector<5000x1xf32> to vector<4984x1xf32>
    %concatenate3A_32 = tpu.concatenate %broadcast_in_dim3A_30, %slice3A_31 in 0 : vector<16x1xf32>, vector<4984x1xf32> -> vector<5000x1xf32>
    %add3A_33 = arith.addf %add3A_28, %concatenate3A_32 : vector<5000x1xf32>
    %broadcast_in_dim3A_34 = arith.constant 0.000000e+00 : f32
    %broadcast_in_dim3A_35 = vector.broadcast %broadcast_in_dim3A_34 : f32 to vector<32x1xf32>
    %slice3A_36 = vector.extract_strided_slice %add3A_33 {offsets = [0, 0], sizes = [4968, 1], strides = [1, 1]} : vector<5000x1xf32> to vector<4968x1xf32>
    %concatenate3A_37 = tpu.concatenate %broadcast_in_dim3A_35, %slice3A_36 in 0 : vector<32x1xf32>, vector<4968x1xf32> -> vector<5000x1xf32>
    %add3A_38 = arith.addf %add3A_33, %concatenate3A_37 : vector<5000x1xf32>
    %broadcast_in_dim3A_39 = arith.constant 0.000000e+00 : f32
    %broadcast_in_dim3A_40 = vector.broadcast %broadcast_in_dim3A_39 : f32 to vector<64x1xf32>
    %slice3A_41 = vector.extract_strided_slice %add3A_38 {offsets = [0, 0], sizes = [4936, 1], strides = [1, 1]} : vector<5000x1xf32> to vector<4936x1xf32>
    %concatenate3A_42 = tpu.concatenate %broadcast_in_dim3A_40, %slice3A_41 in 0 : vector<64x1xf32>, vector<4936x1xf32> -> vector<5000x1xf32>
    %add3A_43 = arith.addf %add3A_38, %concatenate3A_42 : vector<5000x1xf32>
    %broadcast_in_dim3A_44 = arith.constant 0.000000e+00 : f32
    %broadcast_in_dim3A_45 = vector.broadcast %broadcast_in_dim3A_44 : f32 to vector<128x1xf32>
    %slice3A_46 = vector.extract_strided_slice %add3A_43 {offsets = [0, 0], sizes = [4872, 1], strides = [1, 1]} : vector<5000x1xf32> to vector<4872x1xf32>
    %concatenate3A_47 = tpu.concatenate %broadcast_in_dim3A_45, %slice3A_46 in 0 : vector<128x1xf32>, vector<4872x1xf32> -> vector<5000x1xf32>
    %add3A_48 = arith.addf %add3A_43, %concatenate3A_47 : vector<5000x1xf32>
    %broadcast_in_dim3A_49 = arith.constant 0.000000e+00 : f32
    %broadcast_in_dim3A_50 = vector.broadcast %broadcast_in_dim3A_49 : f32 to vector<256x1xf32>
    %slice3A_51 = vector.extract_strided_slice %add3A_48 {offsets = [0, 0], sizes = [4744, 1], strides = [1, 1]} : vector<5000x1xf32> to vector<4744x1xf32>
    %concatenate3A_52 = tpu.concatenate %broadcast_in_dim3A_50, %slice3A_51 in 0 : vector<256x1xf32>, vector<4744x1xf32> -> vector<5000x1xf32>
    %add3A_53 = arith.addf %add3A_48, %concatenate3A_52 : vector<5000x1xf32>
    %broadcast_in_dim3A_54 = arith.constant 0.000000e+00 : f32
    %broadcast_in_dim3A_55 = vector.broadcast %broadcast_in_dim3A_54 : f32 to vector<512x1xf32>
    %slice3A_56 = vector.extract_strided_slice %add3A_53 {offsets = [0, 0], sizes = [4488, 1], strides = [1, 1]} : vector<5000x1xf32> to vector<4488x1xf32>
    %concatenate3A_57 = tpu.concatenate %broadcast_in_dim3A_55, %slice3A_56 in 0 : vector<512x1xf32>, vector<4488x1xf32> -> vector<5000x1xf32>
    %add3A_58 = arith.addf %add3A_53, %concatenate3A_57 : vector<5000x1xf32>
    %broadcast_in_dim3A_59 = arith.constant 0.000000e+00 : f32
    %broadcast_in_dim3A_60 = vector.broadcast %broadcast_in_dim3A_59 : f32 to vector<1024x1xf32>
    %slice3A_61 = vector.extract_strided_slice %add3A_58 {offsets = [0, 0], sizes = [3976, 1], strides = [1, 1]} : vector<5000x1xf32> to vector<3976x1xf32>
    %concatenate3A_62 = tpu.concatenate %broadcast_in_dim3A_60, %slice3A_61 in 0 : vector<1024x1xf32>, vector<3976x1xf32> -> vector<5000x1xf32>
    %add3A_63 = arith.addf %add3A_58, %concatenate3A_62 : vector<5000x1xf32>
    %broadcast_in_dim3A_64 = arith.constant 0.000000e+00 : f32
    %broadcast_in_dim3A_65 = vector.broadcast %broadcast_in_dim3A_64 : f32 to vector<2048x1xf32>
    %slice3A_66 = vector.extract_strided_slice %add3A_63 {offsets = [0, 0], sizes = [2952, 1], strides = [1, 1]} : vector<5000x1xf32> to vector<2952x1xf32>
    %concatenate3A_67 = tpu.concatenate %broadcast_in_dim3A_65, %slice3A_66 in 0 : vector<2048x1xf32>, vector<2952x1xf32> -> vector<5000x1xf32>
    %add3A_68 = arith.addf %add3A_63, %concatenate3A_67 : vector<5000x1xf32>
    %broadcast_in_dim3A_69 = arith.constant 0.000000e+00 : f32
    %broadcast_in_dim3A_70 = vector.broadcast %broadcast_in_dim3A_69 : f32 to vector<4096x1xf32>
    %slice3A_71 = vector.extract_strided_slice %add3A_68 {offsets = [0, 0], sizes = [904, 1], strides = [1, 1]} : vector<5000x1xf32> to vector<904x1xf32>
    %concatenate3A_72 = tpu.concatenate %broadcast_in_dim3A_70, %slice3A_71 in 0 : vector<4096x1xf32>, vector<904x1xf32> -> vector<5000x1xf32>
    %add3A_73 = arith.addf %add3A_68, %concatenate3A_72 : vector<5000x1xf32>
    %get3A_74 = arith.constant 0 : index
    %get3A_75 = arith.constant 0 : index
    %get3A_76 = memref.load %arg3[%get3A_74, %get3A_75] : memref<1x1xf32, #tpu.memory_space<smem>>
    %add3A_77 = vector.broadcast %add3A_73 : vector<5000x1xf32> to vector<5000x128xf32>
    %add3A_78 = arith.addf %dot_general3A_7, %add3A_77 : vector<5000x128xf32>
    %add3A_79 = vector.broadcast %get3A_76 : f32 to vector<5000x128xf32>
    %add3A_80 = arith.addf %add3A_78, %add3A_79 : vector<5000x128xf32>
    %swap3A = arith.constant 0 : index
    %swap3A_81 = arith.constant 0 : index
    %swap3A_82 = vector.load %arg2[%swap3A, %swap3A_81] : memref<5000x128xf32, #tpu.memory_space<vmem>>, vector<5000x128xf32>
    tpu.vector_store %arg2[%swap3A, %swap3A_81], %add3A_80 {strides = array<i32>} : memref<5000x128xf32, #tpu.memory_space<vmem>>, vector<5000x128xf32>,
    %slice3A_83 = vector.extract_strided_slice %slice3A {offsets = [4999, 0], sizes = [1, 1], strides = [1, 1]} : vector<5000x1xf32> to vector<1x1xf32>
    %reduce_sum3A = vector.shape_cast %slice3A_83 : vector<1x1xf32> to vector<1x1x1xf32>
    %reduce_sum3A_84 = arith.constant dense<0.000000e+00> : vector<1xf32>
    %reduce_sum3A_85 = vector.multi_reduction <add>, %reduce_sum3A, %reduce_sum3A_84 [1, 2] : vector<1x1x1xf32> to vector<1xf32>
    %reduce_sum3A_86 = vector.shape_cast %reduce_sum3A_85 : vector<1xf32> to vector<1x1x1xf32>
    %reduce_sum3A_87 = vector.extract %reduce_sum3A_86[0, 0, 0] : f32 from vector<1x1x1xf32>
    %add3A_88 = arith.addf %get3A_76, %reduce_sum3A_87 : f32
    %slice3A_89 = vector.extract_strided_slice %add3A_73 {offsets = [4999, 0], sizes = [1, 1], strides = [1, 1]} : vector<5000x1xf32> to vector<1x1xf32>
    %reduce_sum3A_90 = vector.shape_cast %slice3A_89 : vector<1x1xf32> to vector<1x1x1xf32>
    %reduce_sum3A_91 = arith.constant dense<0.000000e+00> : vector<1xf32>
    %reduce_sum3A_92 = vector.multi_reduction <add>, %reduce_sum3A_90, %reduce_sum3A_91 [1, 2] : vector<1x1x1xf32> to vector<1xf32>
    %reduce_sum3A_93 = vector.shape_cast %reduce_sum3A_92 : vector<1xf32> to vector<1x1x1xf32>
    %reduce_sum3A_94 = vector.extract %reduce_sum3A_93[0, 0, 0] : f32 from vector<1x1x1xf32>
    %add3A_95 = arith.addf %add3A_88, %reduce_sum3A_94 : f32
    %swap3A_96 = arith.constant 0 : index
    %swap3A_97 = arith.constant 0 : index
    %swap3A_98 = memref.load %arg3[%swap3A_96, %swap3A_97] : memref<1x1xf32, #tpu.memory_space<smem>>
    memref.store %add3A_95, %arg3[%swap3A_96, %swap3A_97] : memref<1x1xf32, #tpu.memory_space<smem>>
    return
  }
  func.func @transform_0(%arg0: i32) -> (i32, i32) {
    %c0_i32 = arith.constant 0 : i32
    %c0_i32_0 = arith.constant 0 : i32
    return %arg0, %c0_i32 : i32, i32
  }
  func.func @transform_1(%arg0: i32) -> (i32, i32) {
    %c0_i32 = arith.constant 0 : i32
    %c0_i32_0 = arith.constant 0 : i32
    return %arg0, %c0_i32 : i32, i32
  }
}

</mosaic_0001>

<sc_bundles>
// kernel: kernel.5.cloned.1.call-start
scs
__scs_entry_jumppad:
0x0: {  	(pc) =	sbr.rel $0x88, $3  }
0x1: {  	(tag) =	ssettag $0x0;
	lr =	simm.s32 $0x1  }
0x2: {  	[smem:$0x3F9C] =	sst lr;
	_ =	strace $0xD0000000  }
0x3: {  	_ = 	snop  }
0x4: {  	_ = 	snop  }
0x5: {  	_ = 	snop  }
0x6: {  	_ = 	snop  }
0x7: {  	_ = 	snop  }
__scs_overlays_trampoline_lowered:
0x8: {  	[smem:$0x3FAB] =	sst s0  }
0x9: {  	[smem:$0x3FAC] =	sst s1  }
0xa: {  	[smem:$0x3FAD] =	sst s2  }
0xb: {  	[smem:$0x3FAE] =	sst s3  }
0xc: {  	[smem:$0x3FAF] =	sst s4  }
0xd: {  	[smem:$0x3FB0] =	sst s5  }
0xe: {  	[smem:$0x3FB1] =	sst s6  }
0xf: {  	[smem:$0x3FB2] =	sst s7  }
0x10: {  	[smem:$0x3FB3] =	sst s8  }
0x11: {  	[smem:$0x3FB4] =	sst s9;
	s0 =	simm.s32 @!p0 $0x0  }
0x12: {  	s1 =	sld [smem:$0x3F9A];
	s0 =	simm.s32 @p0 $0x1  }
0x13: {  	[smem:$0x3FB5] =	sst s0;
	s0 =	simm.s32 @!p1 $0x0  }
0x14: {  	s2 =	sld [smem:$0x3F99];
	s0 =	simm.s32 @p1 $0x1  }
0x15: {  	[smem:$0x3FB6] =	sst s0;
	s0 =	simm.s32 @!p2 $0x0  }
0x16: {  	s3 =	sld [smem:$0x3FDB];
	s0 =	simm.s32 @p2 $0x1  }
0x17: {  	s4 =	simm.s32 $0x1BF5;
	[smem:$0x3FB8] =	sst s0  }
0x18: {  	s0 =	sld [smem:$0x3F9B];
	_ =	swait.ge [sflag:s4], $0x0  }
0x19: {  	s7 =	sld [smem:$0x3F9C]  }
0x1a: {  	s8 =	sadd.s32 $0xFFFFE003, lr  }
0x1b: {  	s9 =	sadd.s32 $0xFFFFFEF7, lr;
	s5 =	simm.s32 $0xFFFFFFFF;
	p2 =	slt.u32 s8, $0xFFFFF086  }
0x1c: {  	p1 =	slt.u32 s9, $0xF7A;
	s5 =	simm.s32 @!p2 $0x0  }
0x1d: {  	s5 =	simm.s32 @p1 $0x1;
	p0 =	seq.s32 s7, s2  }
0x1e: {  	s7 =	smul.u32 @!p0 $0xF7A, s2;
	p2 =	seq.s32 @!p0 s5, $0x0  }
0x1f: {  	s9 =	smul.u32 $0xF7A, s1;
	s8 =	simm.s32 @!p0 $0x1BF5;
	p2 =	por !p2, p0  }
0x20: {  	[sflag:s8] =	ssyncset.s32 @!p0 $0xFFFFF086;
	s6 =	sadd.s32 @!p0 s3, s7;
	s7 =	simm.s32 @!p0 $0x108  }
0x21: {  	s3 =	sadd.s32 s3, s9;
	s6 =	sadd.s32 @!p0 $0x88, s6;
	s7 =	simm.s32 @p2 $0x1082  }
0x22: {  	[simem:s7], [sflag:s8] =	dma.local @!p0 [hbm:s6], $0xF7A  }
0x23: {  	s9 =	sor.u32 $0xD0000000, s2;
	s6 =	simm.s32 $0x108;
	_ =	swait.ge @!p0 [sflag:s8], $0x0  }
0x24: {  	s3 =	sadd.s32 $0x88, s3;
	s6 =	simm.s32 @!p1 $0x1082;
	[sflag:s4] =	ssyncset.s32 $0xFFFFF086  }
0x25: {  	[simem:s6], [sflag:s4] =	dma.local [hbm:s3], $0xF7A  }
0x26: {  	[smem:$0x3F9C] =	sst s1;
	(tag) =	ssettag s2;
	_ =	strace s9  }
0x27: {  	s1 =	sld [smem:$0x3FAC]  }
0x28: {  	s2 =	sld [smem:$0x3FAD]  }
0x29: {  	s4 =	sld [smem:$0x3FAF]  }
0x2a: {  	p0 =	seq.s32 s5, $0x0;
	s5 =	sld [smem:$0x3FB0]  }
0x2b: {  	s6 =	sld [smem:$0x3FB1]  }
0x2c: {  	s7 =	sld [smem:$0x3FB2]  }
0x2d: {  	s3 =	simm.s32 $0x108;
	s8 =	sld [smem:$0x3FB3]  }
0x2e: {  	s3 =	simm.s32 @!p0 $0x1082;
	s9 =	sld [smem:$0x3FB4]  }
0x2f: {  	lr =	sadd.s32 s0, s3;
	s0 =	sld [smem:$0x3FAB]  }
0x30: {  	s3 =	sld [smem:$0x3FAE]  }
0x31: {  	[smem:$0x3FB7] =	sst s10  }
0x32: {  	s10 =	sld [smem:$0x3FB5];
	_ =	sdelay $0x3  }
0x33: {  	p0 =	seq.s32 s10, $0x1;
	s10 =	sld [smem:$0x3FB7];
	_ =	sdelay $0x3  }
0x34: {  	[smem:$0x3FB7] =	sst s10  }
0x35: {  	s10 =	sld [smem:$0x3FB6];
	_ =	sdelay $0x3  }
0x36: {  	p1 =	seq.s32 s10, $0x1;
	s10 =	sld [smem:$0x3FB7];
	_ =	sdelay $0x3  }
0x37: {  	[smem:$0x3FB7] =	sst s10  }
0x38: {  	s10 =	sld [smem:$0x3FB8]  }
0x39: {  	_ = 	snop;
	(pc) =	sbr.ind lr, $3  }
0x3a: {  	_ = 	snop  }
0x3b: {  	_ = 	snop  }
0x3c: {  	p2 =	seq.s32 s10, $0x1;
	s10 =	sld [smem:$0x3FB7]  }
0x3d: {  	_ =	shalt  }
0x3e: {  	_ =	shalt  }
0x3f: {  	_ =	shalt  }
0x40: {  	_ =	shalt  }
0x41: {  	_ =	shalt  }
0x42: {  	_ =	shalt  }
0x43: {  	_ =	shalt  }
0x44: {  	_ =	shalt  }
0x45: {  	_ =	shalt  }
0x46: {  	_ =	shalt  }
0x47: {  	_ =	shalt  }
0x48: {  	_ =	shalt  }
0x49: {  	_ =	shalt  }
0x4a: {  	_ =	shalt  }
0x4b: {  	_ =	shalt  }
0x4c: {  	_ =	shalt  }
0x4d: {  	_ =	shalt  }
0x4e: {  	_ =	shalt  }
0x4f: {  	_ =	shalt  }
0x50: {  	_ =	shalt  }
0x51: {  	_ =	shalt  }
0x52: {  	_ =	shalt  }
0x53: {  	_ =	shalt  }
0x54: {  	_ =	shalt  }
0x55: {  	_ =	shalt  }
0x56: {  	_ =	shalt  }
0x57: {  	_ =	shalt  }
0x58: {  	_ =	shalt  }
0x59: {  	_ =	shalt  }
0x5a: {  	_ =	shalt  }
0x5b: {  	_ =	shalt  }
0x5c: {  	_ =	shalt  }
0x5d: {  	_ =	shalt  }
0x5e: {  	_ =	shalt  }
0x5f: {  	_ =	shalt  }
0x60: {  	_ =	shalt  }
0x61: {  	_ =	shalt  }
0x62: {  	_ =	shalt  }
0x63: {  	_ =	shalt  }
0x64: {  	_ =	shalt  }
0x65: {  	_ =	shalt  }
0x66: {  	_ =	shalt  }
0x67: {  	_ =	shalt  }
0x68: {  	_ =	shalt  }
0x69: {  	_ =	shalt  }
0x6a: {  	_ =	shalt  }
0x6b: {  	_ =	shalt  }
0x6c: {  	_ =	shalt  }
0x6d: {  	_ =	shalt  }
0x6e: {  	_ =	shalt  }
0x6f: {  	_ =	shalt  }
0x70: {  	_ =	shalt  }
0x71: {  	_ =	shalt  }
0x72: {  	_ =	shalt  }
0x73: {  	_ =	shalt  }
0x74: {  	_ =	shalt  }
0x75: {  	_ =	shalt  }
0x76: {  	_ =	shalt  }
0x77: {  	_ =	shalt  }
0x78: {  	_ =	shalt  }
0x79: {  	_ =	shalt  }
0x7a: {  	_ =	shalt  }
0x7b: {  	_ =	shalt  }
0x7c: {  	_ =	shalt  }
0x7d: {  	_ =	shalt  }
0x7e: {  	_ =	shalt  }
0x7f: {  	_ =	shalt  }
0x80: {  	_ =	shalt  }
0x81: {  	_ =	shalt  }
0x82: {  	_ =	shalt  }
0x83: {  	_ =	shalt  }
0x84: {  	_ =	shalt  }
0x85: {  	_ =	shalt  }
0x86: {  	_ =	shalt  }
0x87: {  	_ =	shalt  }
.Lfunc_end0:
.L_simem_size_0:
called_computation_lowered:
.L_overlay_start_0:
0x88: {  	s2 =	sld [smem:$0x3FD9]  }
0x89: {  	s3 =	sld [smem:$0x3FFE];
	_ =	sdelay $0x1  }
0x8a: {  	s1 =	srdreg.scid  }
0x8b: {  	s0 =	sand.u32 $0x1, s1  }
0x8c: {  	s17 =	sshll.u32 s0, $0xA;
	s2 =	sadd.s32 s3, s2  }
0x8d: {  	s2 =	sadd.s32 s2, s17  }
0x8e: {  	[smem:$0x3FC3] =	sst s2  }
0x8f: {  	_ = 	snop  }
0x90: {  	s2 =	sld [smem:$0x3FC7]  }
0x91: {  	s18 =	sld [smem:$0x3FC6];
	(tm) =	ssettm $0x1  }
0x92: {  	s4 =	sld [smem:$0x3FFB];
	_ =	sdelay $0x3  }
0x93: {  	_ =	strace s4  }
0x94: {  	s4 =	sld [smem:$0x3FFC];
	_ =	sdelay $0x3  }
0x95: {  	_ =	strace s4  }
0x96: {  	s4 =	sld [smem:$0x3FFD];
	_ =	sdelay $0x3  }
0x97: {  	_ =	strace s4  }
0x98: {  	_ =	strace $0x8FFFFFFF  }
0x99: {  	s19 =	sld [smem:$0x3FDB];
	_ =	sdelay $0x1  }
0x9a: {  	s5 =	simm.s32 $_scs_section_size  }
0x9b: {  	s6 =	simm.s32 $_size__tile_overlayer_lowered;
	s7 =	simm.s32 $_tile_overlayer_lowered  }
0x9c: {  	s22 =	simm.s32 $0x1BFF;
	s21 =	sshll.u32 s7, $0x1;
	s4 =	sadd.s32 s5, s19  }
0x9d: {  	s8 =	simm.s32 $0x0;
	s20 =	sshll.u32 s6, $0x1;
	s6 =	sadd.s32 s21, s4  }
0x9e: {  	[timem:s8], [sflag:s22] =	dma.local [hbm:s6], s20  }
0x9f: {  	_ =	swait.ge [sflag:s22], s20  }
0xa0: {  	s5 =	ssub.s32 $0x0, s20;
	[sflag:s22] =	ssyncset.done $0x0  }
0xa1: {  	[sflag:s22] =	ssyncadd.s32 s5;
	_ =	sdelay $0x1  }
0xa2: {  	s23 =	simm.s32 $0x1B8B  }
0xa3: {  	_ =	swait.ge [sflag:s23], $0x1  }
0xa4: {  	[sflag:s23] =	ssyncset.done $0x0  }
0xa5: {  	s25 =	simm.s32 $0x1B8E;
	s24 =	sld [smem:$0x3FFE];
	[sflag:s23] =	ssyncadd.s32 $0xFFFFFFFF  }
0xa6: {  	s26 =	simm.s32 $execute0_lowered;
	[smem:$0x3FD2] =	sst s25  }
0xa7: {  	s6 =	sshll.u32 s26, $0x1;
	_ =	strace $0x80000046;
	[dreg:$0x1] =	wrdreg $0xFFFFFFFF  }
0xa8: {  	s28 =	simm.s32 $_size_execute0_lowered;
	s4 =	sadd.s32 s4, s6;
	[dreg:$0x0] =	wrdreg $0x0  }
0xa9: {  	s6 =	sshll.u32 s28, $0x1;
	[dreg:$0x2] =	wrdreg s4  }
0xaa: {  	[dreg:$0x3] =	wrdreg s6  }
0xab: {  	[dreg:$0x4] =	wrdreg $0xC0  }
0xac: {  	_ =	task [dreg:s8], $0x5FFFF  }
0xad: {  	[dreg:$0x1] =	wrdreg $0xFFFFFFFF  }
0xae: {  	[dreg:$0x0] =	wrdreg $0x60  }
0xaf: {  	[dreg:$0x2] =	wrdreg s2  }
0xb0: {  	[dreg:$0x3] =	wrdreg s18  }
0xb1: {  	[dreg:$0x4] =	wrdreg s24  }
0xb2: {  	[dreg:$0x5] =	wrdreg $0xBE800  }
0xb3: {  	[dreg:$0x6] =	wrdreg $0x9  }
0xb4: {  	_ =	task.clear_ibuf [dreg:s8], $0x7FFFF;
	_ =	strace $0x90000046  }
0xb5: {  	s29 =	simm.s32 $0x9;
	_ =	strace $0x80000048  }
0xb6: {  	_ =	swait.ge [sflag:s29], $0x1  }
0xb7: {  	[sflag:s29] =	ssyncadd.s32 $0xFFFFFFFF  }
0xb8: {  	_ =	strace $0x90000048  }
0xb9: {  	_ =	sfence  }
0xba: {  	s30 =	sld [smem:$0x0];
	_ =	sdelay $0x2  }
0xbb: {  	s31 =	sshll.u32 s1, $0xD;
	s1 =	sshrl.u32 s1, $0x2  }
0xbc: {  	s3 =	sand.u32 $0x4000, s31;
	s1 =	sadd.s32 s1, s30  }
0xbd: {  	s0 =	sor.u32 s3, s0;
	s1 =	sshll.u32 s1, $0x11  }
0xbe: {  	s0 =	sor.u32 s1, s0  }
0xbf: {  	s0 =	sadd.s32 $0x8F2B, s0  }
0xc0: {  	[sflag:s0] =	ssyncadd.remote.s32 $0x1  }
0xc1: {  	_ =	sfence.sel $0xFFFF  }
0xc2: {  	[dreg:$0x0] =	wrdreg $0xFFFFFFFF;
	(pc) =	sbr.abs _section_cstart, $3  }
0xc3: {  	[dreg:$0x1] =	wrdreg $0xFFFFFFFF  }
0xc4: {  	_ =	task.clear_ibuf [dreg:s8], $0x2FFFF;
	_ =	strace $0x9FFFFFFF  }
0xc5: {  	(tm) =	ssettm $0x7FFFFFFF  }
tec
execute0_lowered:
.L_overlay_start_1:
0x0: {  	(tag) =	ssettag $0x1  }
0x1: {  	s1 =	rddreg [dreg:$0x0]  }
0x2: {  	s2 =	rddreg [dreg:$0x1]  }
0x3: {  	s0 =	rddreg [dreg:$0x2]  }
0x4: {  	s3 =	rddreg [dreg:$0x3];
	s4 =	simm.s32 $0x0;
	s5 =	srdreg.scid  }
0x5: {  	s14 =	stileid.u32;
	s28 =	simm.s32 $0x4;
	s29 =	simm.s32 $0x4000  }
0x6: {  	s30 =	simm.s32 $0x5;
	s31 =	simm.s32 $0x2;
	[smem:$0x7FF] =	sst s4  }
0x7: {  	s5 =	sand.u32 $0x1, s5;
	s7 =	sadd.s32 $0x10800, s0;
	s9 =	sadd.s32 $0xC00, s0  }
0x8: {  	s11 =	smul.u32 $0x7D00, s14;
	s6 =	sadd.s32 $0x20200, s0;
	_ =	strace $0x80000047  }
0x9: {  	s8 =	ssub.s32 $0x2, s5;
	s23 =	sshll.u32 s5, $0x4;
	s5 =	smul.u32 $0x186A00, s5  }
0xa: {  	s10 =	sshrl.u32 s8, $0x1;
	s24 =	sshrl.u32 s11, $0x3;
	s12 =	sadd.s32 $0x1F40, s11  }
0xb: {  	s26 =	sadd.s32 s11, s3;
	s18 =	sadd.s32 $0x3E80, s11;
	s11 =	sadd.s32 $0x5DC0, s11  }
0xc: {  	s0 =	ssub.s32 s8, s10;
	s13 =	sadd.s32 s7, s24;
	[dreg:$0x7] =	wrdreg s26  }
0xd: {  	s8 =	sor.u32 s14, s23;
	s10 =	sadd.s32 s9, s24;
	[dreg:$0x5] =	wrdreg s13  }
0xe: {  	s25 =	sshrl.u32 s12, $0x3;
	s17 =	sadd.s32 s12, s3;
	[dreg:$0x6] =	wrdreg s10  }
0xf: {  	s19 =	sshrl.u32 s18, $0x3;
	s24 =	sadd.s32 s11, s3;
	[dreg:$0xa] =	wrdreg s17  }
0x10: {  	s21 =	sshrl.u32 s11, $0x3;
	s15 =	sadd.s32 s7, s25;
	[dreg:$0x10] =	wrdreg s24  }
0x11: {  	s14 =	smul.u32 $0x186A0, s14;
	s16 =	sadd.s32 s9, s25;
	[dreg:$0x8] =	wrdreg s15  }
0x12: {  	s11 =	simm.s32 $0x2000;
	s20 =	sadd.s32 s7, s19;
	[dreg:$0x9] =	wrdreg s16  }
0x13: {  	s8 =	smul.u32 $0x186A0, s8;
	s12 =	sadd.s32 s9, s19;
	[dreg:$0xb] =	wrdreg s20  }
0x14: {  	s10 =	sadd.s32 s18, s3;
	s7 =	sadd.s32 s7, s21;
	[dreg:$0xc] =	wrdreg s12  }
0x15: {  	s22 =	sadd.s32 s9, s21;
	s0 =	smax.u32 s0, $0x1;
	[dreg:$0xd] =	wrdreg s10  }
0x16: {  	s24 =	simm.s32 $0x6;
	s9 =	simm.s32 $0x1;
	[dreg:$0xe] =	wrdreg s7  }
0x17: {  	s13 =	simm.s32 $0x0;
	[dreg:$0xf] =	wrdreg s22;
	s5 =	sadd.s32 s14, s5  }
0x18: {  	[dreg:$0x12] =	wrdreg s0;
	s0 =	simm.s32 $0x3;
	s10 =	simm.s32 $0x7D0  }
.Ltmp0:
0x19: {  	s12 =	simm.s32 $0x27D0;
	s23 =	sshrl.u32 s8, $0x3;
	(pc) =	sbr.rel .LBB2_1-.Ltmp0, $4  }
0x1a: {  	s25 =	sadd.s32 $0xFA0, s5;
	s17 =	sadd.s32 $0x1F40, s5;
	s5 =	simm.s32 $0xFA0  }
0x1b: {  	s8 =	simm.s32 $0x5000;
	s7 =	sadd.s32 s1, s23;
	s26 =	sshrl.u32 s25, $0x3  }
0x1c: {  	s23 =	simm.s32 $0x6000;
	s25 =	simm.s32 $0x7F80;
	[dreg:$0x11] =	wrdreg s7  }
0x1d: {  	s16 =	sadd.s32 s26, s1;
	s26 =	simm.s32 $0x9F00;
	s7 =	simm.s32 $0x3000  }
.LBB2_23:
0x1e: {  	_ =	swait.ge [sflag:s30], $0xFA0  }
0x1f: {  	[sflag:s30] =	ssyncset.done $0x0  }
0x20: {  	[sflag:s30] =	ssyncadd.s32 $0xFFFFF060  }
.LBB2_21:
0x21: {  	s13 =	sadd.s32 $0x1, s13;
	s14 =	rddreg [dreg:$0x12]  }
0x22: {  	p0 =	sne.s32 s13, s14  }
.Ltmp1:
0x23: {  	_ = 	snop;
	(pc) =	sbr.rel @!p0 .LBB2_22-.Ltmp1, $1  }
0x24: {  	_ =	sdelay $0x3  }
.LBB2_1:
0x25: {  	s14 =	rddreg [dreg:$0x5]  }
0x26: {  	[tilespmem:s23], [sflag:$0x6] =	stream.linear.gather [hbm4b:s14+s4], $0x1F40, $0x38;
	[tilespmem:$0x13B80] =	vst v63  }
0x27: {  	_ =	swait.ge [sflag:s24], $0x1F40  }
0x28: {  	[sflag:s24] =	ssyncset.done $0x0  }
0x29: {  	s22 =	rddreg [dreg:$0x6];
	[sflag:s24] =	ssyncadd.s32 $0xFFFFE0C0  }
0x2a: {  	[tilespmem:s25], [sflag:$0x6] =	stream.linear.gather [hbm4b:s22+s4], $0x1F50, $0x38;
	[tilespmem:$0x13B80] =	vst v63  }
0x2b: {  	_ =	swait.ge [sflag:s24], $0x1F50  }
0x2c: {  	[sflag:s24] =	ssyncset.done $0x0  }
0x2d: {  	s15 =	simm.s32 $0x0;
	[sflag:s24] =	ssyncadd.s32 $0xFFFFE0B0  }
0x2e: {  	v0 =	vld [tilespmem:s15+$0x7F80]  }
0x2f: {  	v1 =	vld [tilespmem:s15+$0x7F81];
	_ =	sdelay $0x4  }
0x30: {  	s21 =	simm.s32 $0x10;
	v0 =	vsub.s32 v1, v0  }
0x31: {  	v2 =	vld [tilespmem:s21+$0x7F80];
	v1 =	vadd.s32 $0xFFFFFFFF, v0  }
0x32: {  	v3 =	vld [tilespmem:s21+$0x7F81];
	vm0 =	vgt.s32 v1, $0x1  }
0x33: {  	v1 =	vnsel vm0, $0x1, v1  }
0x34: {  	s14 =	simm.s32 $0x20;
	v1 =	vcvt.s32.f32 v1  }
0x35: {  	v4 =	vld [tilespmem:s14+$0x7F80]  }
0x36: {  	(erf) = vrcp.f32 v1;
	v1 =	vld [tilespmem:s14+$0x7F81]  }
0x37: {  	v2 =	vsub.s32 v3, v2  }
0x38: {  	v3 =	vadd.s32 $0xFFFFFFFF, v2  }
0x39: {  	vm14 =	vgt.s32 v3, $0x1  }
0x3a: {  	v3 =	vnsel vm14, $0x1, v3  }
0x3b: {  	v6 =	vld [tilespmem:s15+$0x6000];
	v1 =	vsub.s32 v1, v4;
	v4 =	vcvt.s32.f32 v3  }
0x3c: {  	s22 =	simm.s32 $0x30  }
0x3d: {  	v5 =	vld [tilespmem:s22+$0x7F81];
	(erf) = vrcp.f32 v4  }
0x3e: {  	v3 =	vld [tilespmem:s22+$0x7F80];
	v7 =	vadd.s32 $0xFFFFFFFF, v1  }
0x3f: {  	vm15 =	vgt.s32 v7, $0x1  }
0x40: {  	v4 =	vnsel vm15, $0x1, v7;
	v7 =	vmax.f32 v6, $1.000000000e+00;
	v8 =	vpop (erf)  }
0x41: {  	s18 =	simm.s32 $0x100;
	v6 =	vcvt.s32.f32 v4;
	v4 =	vld [tilespmem:s21+$0x6000];
	v7 =	vmul.f32 v8, v7  }
.LBB2_2:
0x42: {  	s19 =	sshra.s32 s18, $0x2;
	vm0 =	vgt.s32 v0, $0x1;
	v0 =	vmov v2;
	v2 =	vmov v1;
	p0 =	sne.s32 s18, $0x7CC0  }
.Ltmp2:
0x43: {  	s18 =	sadd.s32 $0x40, s18;
	v1 =	vsub.s32 v5, v3;
	v3 =	vld [tilespmem:s19+$0x7F80];
	(erf) = vrcp.f32 v6;
	v6 =	vnsel vm0, $0x0, v7;
	(pc) =	sbr.rel @p0 .LBB2_2-.Ltmp2, $4  }
0x44: {  	v5 =	vld [tilespmem:s19+$0x7F81];
	v7 =	vadd.s32 $0xFFFFFFFF, v1;
	[tilespmem:s15+$0x9F00] =	vst v6;
	s15 =	smov.u32 s21;
	s21 =	smov.u32 s14;
	s14 =	smov.u32 s22  }
0x45: {  	s22 =	smov.u32 s19;
	vm0 =	vgt.s32 v7, $0x1  }
0x46: {  	v6 =	vnsel vm0, $0x1, v7;
	v7 =	vmax.f32 v4, $1.000000000e+00;
	v8 =	vpop (erf)  }
0x47: {  	v6 =	vcvt.s32.f32 v6;
	v4 =	vld [tilespmem:s21+$0x6000];
	v7 =	vmul.f32 v8, v7  }
0x48: {  	_ = 	snop  }
0x49: {  	v3 =	vsub.s32 v5, v3  }
0x4a: {  	v5 =	vadd.s32 $0xFFFFFFFF, v3  }
0x4b: {  	vm0 =	vgt.s32 v5, $0x1  }
0x4c: {  	v5 =	vnsel vm0, $0x1, v5  }
0x4d: {  	v5 =	vcvt.s32.f32 v5  }
0x4e: {  	vm9 =	vgt.s32 v0, $0x1;
	(erf) = vrcp.f32 v6;
	v0 =	vmax.f32 v4, $1.000000000e+00;
	v4 =	vpop (erf)  }
0x4f: {  	v0 =	vmul.f32 v4, v0;
	(erf) = vrcp.f32 v5  }
0x50: {  	vm10 =	vgt.s32 v2, $0x1;
	v6 =	vnsel vm9, $0x0, v7  }
0x51: {  	[tilespmem:s15+$0x9F00] =	vst v6;
	v0 =	vnsel vm10, $0x0, v0  }
0x52: {  	v2 =	vld [tilespmem:s14+$0x6000];
	[tilespmem:s21+$0x9F00] =	vst v0  }
0x53: {  	v0 =	vld [tilespmem:s22+$0x6000];
	_ =	sdelay $0x3  }
0x54: {  	v2 =	vmax.f32 v2, $1.000000000e+00;
	v4 =	vpop (erf)  }
0x55: {  	v2 =	vmul.f32 v4, v2;
	v0 =	vmax.f32 v0, $1.000000000e+00;
	v4 =	vpop (erf)  }
0x56: {  	vm11 =	vgt.s32 v1, $0x1;
	v0 =	vmul.f32 v4, v0  }
0x57: {  	vm12 =	vgt.s32 v3, $0x1;
	v1 =	vnsel vm11, $0x0, v2  }
0x58: {  	[tilespmem:s14+$0x9F00] =	vst v1;
	v0 =	vnsel vm12, $0x0, v0  }
0x59: {  	s19 =	rddreg [dreg:$0x7];
	[tilespmem:s22+$0x9F00] =	vst v0  }
0x5a: {  	[spmem:s19] =	stream.linear.scatter [tilespmem:s26], [sflag:$0x6], $0x1F40, $0x38;
	[tilespmem:$0x13B80] =	vst v63  }
0x5b: {  	_ =	swait.ge [sflag:s24], $0x1F40  }
0x5c: {  	[sflag:s24] =	ssyncset.done $0x0  }
0x5d: {  	s20 =	simm.s32 $0x0;
	s21 =	rddreg [dreg:$0x8];
	[sflag:s24] =	ssyncadd.s32 $0xFFFFE0C0  }
0x5e: {  	[tilespmem:s23], [sflag:$0x6] =	stream.linear.gather [hbm4b:s21+s20], $0x1F40, $0x38;
	[tilespmem:$0x13B80] =	vst v63  }
0x5f: {  	_ =	swait.ge [sflag:s24], $0x1F40  }
0x60: {  	[sflag:s24] =	ssyncset.done $0x0  }
0x61: {  	s22 =	rddreg [dreg:$0x9];
	[sflag:s24] =	ssyncadd.s32 $0xFFFFE0C0  }
0x62: {  	[tilespmem:s25], [sflag:$0x6] =	stream.linear.gather [hbm4b:s22+s20], $0x1F50, $0x38;
	[tilespmem:$0x13B80] =	vst v63  }
0x63: {  	_ =	swait.ge [sflag:s24], $0x1F50  }
0x64: {  	[sflag:s24] =	ssyncset.done $0x0  }
0x65: {  	s15 =	simm.s32 $0x0;
	[sflag:s24] =	ssyncadd.s32 $0xFFFFE0B0  }
0x66: {  	v0 =	vld [tilespmem:s15+$0x7F80]  }
0x67: {  	v1 =	vld [tilespmem:s15+$0x7F81];
	_ =	sdelay $0x4  }
0x68: {  	s21 =	simm.s32 $0x10;
	v0 =	vsub.s32 v1, v0  }
0x69: {  	v2 =	vld [tilespmem:s21+$0x7F80];
	v1 =	vadd.s32 $0xFFFFFFFF, v0  }
0x6a: {  	v3 =	vld [tilespmem:s21+$0x7F81];
	vm13 =	vgt.s32 v1, $0x1  }
0x6b: {  	v1 =	vnsel vm13, $0x1, v1  }
0x6c: {  	s14 =	simm.s32 $0x20;
	v1 =	vcvt.s32.f32 v1  }
0x6d: {  	v4 =	vld [tilespmem:s14+$0x7F80]  }
0x6e: {  	(erf) = vrcp.f32 v1;
	v1 =	vld [tilespmem:s14+$0x7F81]  }
0x6f: {  	v2 =	vsub.s32 v3, v2  }
0x70: {  	v3 =	vadd.s32 $0xFFFFFFFF, v2  }
0x71: {  	vm14 =	vgt.s32 v3, $0x1  }
0x72: {  	v3 =	vnsel vm14, $0x1, v3  }
0x73: {  	v6 =	vld [tilespmem:s15+$0x6000];
	v1 =	vsub.s32 v1, v4;
	v4 =	vcvt.s32.f32 v3  }
0x74: {  	s22 =	simm.s32 $0x30  }
0x75: {  	v5 =	vld [tilespmem:s22+$0x7F81];
	(erf) = vrcp.f32 v4  }
0x76: {  	v3 =	vld [tilespmem:s22+$0x7F80];
	v7 =	vadd.s32 $0xFFFFFFFF, v1  }
0x77: {  	vm15 =	vgt.s32 v7, $0x1  }
0x78: {  	v4 =	vnsel vm15, $0x1, v7;
	v7 =	vmax.f32 v6, $1.000000000e+00;
	v8 =	vpop (erf)  }
0x79: {  	s18 =	simm.s32 $0x100;
	v6 =	vcvt.s32.f32 v4;
	v4 =	vld [tilespmem:s21+$0x6000];
	v7 =	vmul.f32 v8, v7  }
.LBB2_4:
0x7a: {  	s19 =	sshra.s32 s18, $0x2;
	vm0 =	vgt.s32 v0, $0x1;
	v0 =	vmov v2;
	v2 =	vmov v1;
	p0 =	sne.s32 s18, $0x7CC0  }
.Ltmp3:
0x7b: {  	s18 =	sadd.s32 $0x40, s18;
	v1 =	vsub.s32 v5, v3;
	v3 =	vld [tilespmem:s19+$0x7F80];
	(erf) = vrcp.f32 v6;
	v6 =	vnsel vm0, $0x0, v7;
	(pc) =	sbr.rel @p0 .LBB2_4-.Ltmp3, $4  }
0x7c: {  	v5 =	vld [tilespmem:s19+$0x7F81];
	v7 =	vadd.s32 $0xFFFFFFFF, v1;
	[tilespmem:s15+$0x9F00] =	vst v6;
	s15 =	smov.u32 s21;
	s21 =	smov.u32 s14;
	s14 =	smov.u32 s22  }
0x7d: {  	s22 =	smov.u32 s19;
	vm0 =	vgt.s32 v7, $0x1  }
0x7e: {  	v6 =	vnsel vm0, $0x1, v7;
	v7 =	vmax.f32 v4, $1.000000000e+00;
	v8 =	vpop (erf)  }
0x7f: {  	v6 =	vcvt.s32.f32 v6;
	v4 =	vld [tilespmem:s21+$0x6000];
	v7 =	vmul.f32 v8, v7  }
0x80: {  	_ = 	snop  }
0x81: {  	v3 =	vsub.s32 v5, v3  }
0x82: {  	v5 =	vadd.s32 $0xFFFFFFFF, v3  }
0x83: {  	vm0 =	vgt.s32 v5, $0x1  }
0x84: {  	v5 =	vnsel vm0, $0x1, v5  }
0x85: {  	v5 =	vcvt.s32.f32 v5  }
0x86: {  	vm9 =	vgt.s32 v0, $0x1;
	(erf) = vrcp.f32 v6;
	v0 =	vmax.f32 v4, $1.000000000e+00;
	v4 =	vpop (erf)  }
0x87: {  	v0 =	vmul.f32 v4, v0;
	(erf) = vrcp.f32 v5  }
0x88: {  	vm10 =	vgt.s32 v2, $0x1;
	v6 =	vnsel vm9, $0x0, v7  }
0x89: {  	[tilespmem:s15+$0x9F00] =	vst v6;
	v0 =	vnsel vm10, $0x0, v0  }
0x8a: {  	v2 =	vld [tilespmem:s14+$0x6000];
	[tilespmem:s21+$0x9F00] =	vst v0  }
0x8b: {  	v0 =	vld [tilespmem:s22+$0x6000];
	_ =	sdelay $0x3  }
0x8c: {  	v2 =	vmax.f32 v2, $1.000000000e+00;
	v4 =	vpop (erf)  }
0x8d: {  	v2 =	vmul.f32 v4, v2;
	v0 =	vmax.f32 v0, $1.000000000e+00;
	v4 =	vpop (erf)  }
0x8e: {  	vm11 =	vgt.s32 v1, $0x1;
	v0 =	vmul.f32 v4, v0  }
0x8f: {  	vm12 =	vgt.s32 v3, $0x1;
	v1 =	vnsel vm11, $0x0, v2  }
0x90: {  	[tilespmem:s14+$0x9F00] =	vst v1;
	v0 =	vnsel vm12, $0x0, v0  }
0x91: {  	s19 =	rddreg [dreg:$0xa];
	[tilespmem:s22+$0x9F00] =	vst v0  }
0x92: {  	[spmem:s19] =	stream.linear.scatter [tilespmem:s26], [sflag:$0x6], $0x1F40, $0x38;
	[tilespmem:$0x13B80] =	vst v63  }
0x93: {  	_ =	swait.ge [sflag:s24], $0x1F40  }
0x94: {  	[sflag:s24] =	ssyncset.done $0x0  }
0x95: {  	s20 =	simm.s32 $0x0;
	s21 =	rddreg [dreg:$0xb];
	[sflag:s24] =	ssyncadd.s32 $0xFFFFE0C0  }
0x96: {  	[tilespmem:s23], [sflag:$0x6] =	stream.linear.gather [hbm4b:s21+s20], $0x1F40, $0x38;
	[tilespmem:$0x13B80] =	vst v63  }
0x97: {  	_ =	swait.ge [sflag:s24], $0x1F40  }
0x98: {  	[sflag:s24] =	ssyncset.done $0x0  }
0x99: {  	s22 =	rddreg [dreg:$0xc];
	[sflag:s24] =	ssyncadd.s32 $0xFFFFE0C0  }
0x9a: {  	[tilespmem:s25], [sflag:$0x6] =	stream.linear.gather [hbm4b:s22+s20], $0x1F50, $0x38;
	[tilespmem:$0x13B80] =	vst v63  }
0x9b: {  	_ =	swait.ge [sflag:s24], $0x1F50  }
0x9c: {  	[sflag:s24] =	ssyncset.done $0x0  }
0x9d: {  	s15 =	simm.s32 $0x0;
	[sflag:s24] =	ssyncadd.s32 $0xFFFFE0B0  }
0x9e: {  	v0 =	vld [tilespmem:s15+$0x7F80]  }
0x9f: {  	v1 =	vld [tilespmem:s15+$0x7F81];
	_ =	sdelay $0x4  }
0xa0: {  	s21 =	simm.s32 $0x10;
	v0 =	vsub.s32 v1, v0  }
0xa1: {  	v2 =	vld [tilespmem:s21+$0x7F80];
	v1 =	vadd.s32 $0xFFFFFFFF, v0  }
0xa2: {  	v3 =	vld [tilespmem:s21+$0x7F81];
	vm13 =	vgt.s32 v1, $0x1  }
0xa3: {  	v1 =	vnsel vm13, $0x1, v1  }
0xa4: {  	s14 =	simm.s32 $0x20;
	v1 =	vcvt.s32.f32 v1  }
0xa5: {  	v4 =	vld [tilespmem:s14+$0x7F80]  }
0xa6: {  	(erf) = vrcp.f32 v1;
	v1 =	vld [tilespmem:s14+$0x7F81]  }
0xa7: {  	v2 =	vsub.s32 v3, v2  }
0xa8: {  	v3 =	vadd.s32 $0xFFFFFFFF, v2  }
0xa9: {  	vm14 =	vgt.s32 v3, $0x1  }
0xaa: {  	v3 =	vnsel vm14, $0x1, v3  }
0xab: {  	v6 =	vld [tilespmem:s15+$0x6000];
	v1 =	vsub.s32 v1, v4;
	v4 =	vcvt.s32.f32 v3  }
0xac: {  	s22 =	simm.s32 $0x30  }
0xad: {  	v5 =	vld [tilespmem:s22+$0x7F81];
	(erf) = vrcp.f32 v4  }
0xae: {  	v3 =	vld [tilespmem:s22+$0x7F80];
	v7 =	vadd.s32 $0xFFFFFFFF, v1  }
0xaf: {  	vm15 =	vgt.s32 v7, $0x1  }
0xb0: {  	v4 =	vnsel vm15, $0x1, v7;
	v7 =	vmax.f32 v6, $1.000000000e+00;
	v8 =	vpop (erf)  }
0xb1: {  	s18 =	simm.s32 $0x100;
	v6 =	vcvt.s32.f32 v4;
	v4 =	vld [tilespmem:s21+$0x6000];
	v7 =	vmul.f32 v8, v7  }
.LBB2_6:
0xb2: {  	s19 =	sshra.s32 s18, $0x2;
	vm0 =	vgt.s32 v0, $0x1;
	v0 =	vmov v2;
	v2 =	vmov v1;
	p0 =	sne.s32 s18, $0x7CC0  }
.Ltmp4:
0xb3: {  	s18 =	sadd.s32 $0x40, s18;
	v1 =	vsub.s32 v5, v3;
	v3 =	vld [tilespmem:s19+$0x7F80];
	(erf) = vrcp.f32 v6;
	v6 =	vnsel vm0, $0x0, v7;
	(pc) =	sbr.rel @p0 .LBB2_6-.Ltmp4, $4  }
0xb4: {  	v5 =	vld [tilespmem:s19+$0x7F81];
	v7 =	vadd.s32 $0xFFFFFFFF, v1;
	[tilespmem:s15+$0x9F00] =	vst v6;
	s15 =	smov.u32 s21;
	s21 =	smov.u32 s14;
	s14 =	smov.u32 s22  }
0xb5: {  	s22 =	smov.u32 s19;
	vm0 =	vgt.s32 v7, $0x1  }
0xb6: {  	v6 =	vnsel vm0, $0x1, v7;
	v7 =	vmax.f32 v4, $1.000000000e+00;
	v8 =	vpop (erf)  }
0xb7: {  	v6 =	vcvt.s32.f32 v6;
	v4 =	vld [tilespmem:s21+$0x6000];
	v7 =	vmul.f32 v8, v7  }
0xb8: {  	_ = 	snop  }
0xb9: {  	v3 =	vsub.s32 v5, v3  }
0xba: {  	v5 =	vadd.s32 $0xFFFFFFFF, v3  }
0xbb: {  	vm0 =	vgt.s32 v5, $0x1  }
0xbc: {  	v5 =	vnsel vm0, $0x1, v5  }
0xbd: {  	v5 =	vcvt.s32.f32 v5  }
0xbe: {  	vm9 =	vgt.s32 v0, $0x1;
	(erf) = vrcp.f32 v6;
	v0 =	vmax.f32 v4, $1.000000000e+00;
	v4 =	vpop (erf)  }
0xbf: {  	v0 =	vmul.f32 v4, v0;
	(erf) = vrcp.f32 v5  }
0xc0: {  	vm10 =	vgt.s32 v2, $0x1;
	v6 =	vnsel vm9, $0x0, v7  }
0xc1: {  	[tilespmem:s15+$0x9F00] =	vst v6;
	v0 =	vnsel vm10, $0x0, v0  }
0xc2: {  	v2 =	vld [tilespmem:s14+$0x6000];
	[tilespmem:s21+$0x9F00] =	vst v0  }
0xc3: {  	v0 =	vld [tilespmem:s22+$0x6000];
	_ =	sdelay $0x3  }
0xc4: {  	v2 =	vmax.f32 v2, $1.000000000e+00;
	v4 =	vpop (erf)  }
0xc5: {  	v2 =	vmul.f32 v4, v2;
	v0 =	vmax.f32 v0, $1.000000000e+00;
	v4 =	vpop (erf)  }
0xc6: {  	vm11 =	vgt.s32 v1, $0x1;
	v0 =	vmul.f32 v4, v0  }
0xc7: {  	vm12 =	vgt.s32 v3, $0x1;
	v1 =	vnsel vm11, $0x0, v2  }
0xc8: {  	[tilespmem:s14+$0x9F00] =	vst v1;
	v0 =	vnsel vm12, $0x0, v0  }
0xc9: {  	s19 =	rddreg [dreg:$0xd];
	[tilespmem:s22+$0x9F00] =	vst v0  }
0xca: {  	[spmem:s19] =	stream.linear.scatter [tilespmem:s26], [sflag:$0x6], $0x1F40, $0x38;
	[tilespmem:$0x13B80] =	vst v63  }
0xcb: {  	_ =	swait.ge [sflag:s24], $0x1F40  }
0xcc: {  	[sflag:s24] =	ssyncset.done $0x0  }
0xcd: {  	s20 =	simm.s32 $0x0;
	s21 =	rddreg [dreg:$0xe];
	[sflag:s24] =	ssyncadd.s32 $0xFFFFE0C0  }
0xce: {  	[tilespmem:s23], [sflag:$0x6] =	stream.linear.gather [hbm4b:s21+s20], $0x1F40, $0x38;
	[tilespmem:$0x13B80] =	vst v63  }
0xcf: {  	_ =	swait.ge [sflag:s24], $0x1F40  }
0xd0: {  	[sflag:s24] =	ssyncset.done $0x0  }
0xd1: {  	s22 =	rddreg [dreg:$0xf];
	[sflag:s24] =	ssyncadd.s32 $0xFFFFE0C0  }
0xd2: {  	[tilespmem:s25], [sflag:$0x6] =	stream.linear.gather [hbm4b:s22+s20], $0x1F50, $0x38;
	[tilespmem:$0x13B80] =	vst v63  }
0xd3: {  	_ =	swait.ge [sflag:s24], $0x1F50  }
0xd4: {  	[sflag:s24] =	ssyncset.done $0x0  }
0xd5: {  	s15 =	simm.s32 $0x0;
	[sflag:s24] =	ssyncadd.s32 $0xFFFFE0B0  }
0xd6: {  	v0 =	vld [tilespmem:s15+$0x7F80]  }
0xd7: {  	v1 =	vld [tilespmem:s15+$0x7F81];
	_ =	sdelay $0x4  }
0xd8: {  	s21 =	simm.s32 $0x10;
	v0 =	vsub.s32 v1, v0  }
0xd9: {  	v2 =	vld [tilespmem:s21+$0x7F80];
	v1 =	vadd.s32 $0xFFFFFFFF, v0  }
0xda: {  	v3 =	vld [tilespmem:s21+$0x7F81];
	vm13 =	vgt.s32 v1, $0x1  }
0xdb: {  	v1 =	vnsel vm13, $0x1, v1  }
0xdc: {  	s14 =	simm.s32 $0x20;
	v1 =	vcvt.s32.f32 v1  }
0xdd: {  	v4 =	vld [tilespmem:s14+$0x7F80]  }
0xde: {  	(erf) = vrcp.f32 v1;
	v1 =	vld [tilespmem:s14+$0x7F81]  }
0xdf: {  	v2 =	vsub.s32 v3, v2  }
0xe0: {  	v3 =	vadd.s32 $0xFFFFFFFF, v2  }
0xe1: {  	vm14 =	vgt.s32 v3, $0x1  }
0xe2: {  	v3 =	vnsel vm14, $0x1, v3  }
0xe3: {  	v6 =	vld [tilespmem:s15+$0x6000];
	v1 =	vsub.s32 v1, v4;
	v4 =	vcvt.s32.f32 v3  }
0xe4: {  	s22 =	simm.s32 $0x30  }
0xe5: {  	v5 =	vld [tilespmem:s22+$0x7F81];
	(erf) = vrcp.f32 v4  }
0xe6: {  	v3 =	vld [tilespmem:s22+$0x7F80];
	v7 =	vadd.s32 $0xFFFFFFFF, v1  }
0xe7: {  	vm15 =	vgt.s32 v7, $0x1  }
0xe8: {  	v4 =	vnsel vm15, $0x1, v7;
	v7 =	vmax.f32 v6, $1.000000000e+00;
	v8 =	vpop (erf)  }
0xe9: {  	s18 =	simm.s32 $0x100;
	v6 =	vcvt.s32.f32 v4;
	v4 =	vld [tilespmem:s21+$0x6000];
	v7 =	vmul.f32 v8, v7  }
.LBB2_8:
0xea: {  	s19 =	sshra.s32 s18, $0x2;
	vm0 =	vgt.s32 v0, $0x1;
	v0 =	vmov v2;
	v2 =	vmov v1;
	p0 =	sne.s32 s18, $0x7CC0  }
.Ltmp5:
0xeb: {  	s18 =	sadd.s32 $0x40, s18;
	v1 =	vsub.s32 v5, v3;
	v3 =	vld [tilespmem:s19+$0x7F80];
	(erf) = vrcp.f32 v6;
	v6 =	vnsel vm0, $0x0, v7;
	(pc) =	sbr.rel @p0 .LBB2_8-.Ltmp5, $4  }
0xec: {  	v5 =	vld [tilespmem:s19+$0x7F81];
	v7 =	vadd.s32 $0xFFFFFFFF, v1;
	[tilespmem:s15+$0x9F00] =	vst v6;
	s15 =	smov.u32 s21;
	s21 =	smov.u32 s14;
	s14 =	smov.u32 s22  }
0xed: {  	s22 =	smov.u32 s19;
	vm0 =	vgt.s32 v7, $0x1  }
0xee: {  	v6 =	vnsel vm0, $0x1, v7;
	v7 =	vmax.f32 v4, $1.000000000e+00;
	v8 =	vpop (erf)  }
0xef: {  	v6 =	vcvt.s32.f32 v6;
	v4 =	vld [tilespmem:s21+$0x6000];
	v7 =	vmul.f32 v8, v7  }
0xf0: {  	_ = 	snop  }
0xf1: {  	v3 =	vsub.s32 v5, v3  }
0xf2: {  	v5 =	vadd.s32 $0xFFFFFFFF, v3  }
0xf3: {  	vm0 =	vgt.s32 v5, $0x1  }
0xf4: {  	v5 =	vnsel vm0, $0x1, v5  }
0xf5: {  	v5 =	vcvt.s32.f32 v5  }
0xf6: {  	(erf) = vrcp.f32 v6;
	v58 =	vmax.f32 v4, $1.000000000e+00;
	v59 =	vpop (erf)  }
0xf7: {  	vm12 =	vgt.s32 v0, $0x1;
	v0 =	vmul.f32 v59, v58;
	(erf) = vrcp.f32 v5  }
0xf8: {  	vm13 =	vgt.s32 v2, $0x1;
	v60 =	vnsel vm12, $0x0, v7  }
0xf9: {  	[tilespmem:s15+$0x9F00] =	vst v60;
	v0 =	vnsel vm13, $0x0, v0  }
0xfa: {  	v61 =	vld [tilespmem:s14+$0x6000];
	[tilespmem:s21+$0x9F00] =	vst v0  }
0xfb: {  	v0 =	vld [tilespmem:s22+$0x6000];
	_ =	sdelay $0x3  }
0xfc: {  	v2 =	vmax.f32 v61, $1.000000000e+00;
	v62 =	vpop (erf)  }
0xfd: {  	v2 =	vmul.f32 v62, v2;
	v0 =	vmax.f32 v0, $1.000000000e+00;
	v63 =	vpop (erf)  }
0xfe: {  	vm14 =	vgt.s32 v1, $0x1;
	v0 =	vmul.f32 v63, v0  }
0xff: {  	vm15 =	vgt.s32 v3, $0x1;
	v1 =	vnsel vm14, $0x0, v2  }
0x100: {  	[tilespmem:s14+$0x9F00] =	vst v1;
	v0 =	vnsel vm15, $0x0, v0  }
0x101: {  	s21 =	rddreg [dreg:$0x10];
	[tilespmem:s22+$0x9F00] =	vst v0  }
0x102: {  	[spmem:s21] =	stream.linear.scatter [tilespmem:s26], [sflag:$0x6], $0x1F40, $0x38;
	[tilespmem:$0x13B80] =	vst v63  }
0x103: {  	_ =	swait.ge [sflag:s24], $0x1F40  }
0x104: {  	[sflag:s24] =	ssyncset.done $0x0  }
.Ltmp6:
0x105: {  	[sflag:s24] =	ssyncadd.s32 $0xFFFFE0C0;
	(pc) =	sbr.rel .LBB2_10-.Ltmp6, $4  }
0x106: {  	[bflag:$0x0] =	sbarrier.arrive $0xFFFF  }
0x107: {  	s14 =	simm.s32 $0x0;
	s22 =	rddreg [dreg:$0x11]  }
0x108: {  	[tilespmem:s14], [sflag:$0x1] =	stream.linear.gather [hbm4b:s22+s14], $0xFA0, $0x38;
	[tilespmem:$0x13B80] =	vst v63  }
0x109: {  	s15 =	simm.s32 $0x1;
	s21 =	smov.u32 s17;
	s22 =	smov.u32 s16  }
.LBB2_18:
0x10a: {  	_ =	swait.ge [sflag:s28], $0xFA0;
	s18 =	sadd.s32 $0xFFFFD120, s21  }
0x10b: {  	[sflag:s28] =	ssyncset.done $0x0;
	s18 =	sshrl.u32 s18, $0x3  }
0x10c: {  	[sflag:s28] =	ssyncadd.s32 $0xFFFFF060;
	s18 =	sadd.s32 s6, s18  }
0x10d: {  	[hbm4b:s18+s4] =	stream.linear.scatter [tilespmem:s8], [sflag:$0x5], $0xFA0, $0x38;
	[tilespmem:$0x13B80] =	vst v63  }
.LBB2_19:
0x10e: {  	_ =	swait.ge [sflag:s30], $0xFA0  }
0x10f: {  	[sflag:s30] =	ssyncset.done $0x0  }
0x110: {  	[sflag:s30] =	ssyncadd.s32 $0xFFFFF060  }
.LBB2_20:
0x111: {  	_ =	swait.ge [sflag:s31], $0x7D0  }
0x112: {  	[sflag:s31] =	ssyncset.done $0x0  }
0x113: {  	[sflag:s31] =	ssyncadd.s32 $0xFFFFF830  }
0x114: {  	_ =	swait.ge [sflag:s0], $0x7D0  }
0x115: {  	p0 =	slt.u32 s15, $0x19;
	[sflag:s0] =	ssyncset.done $0x0  }
0x116: {  	s18 =	simm.s32 @p0 $0x1;
	[sflag:s0] =	ssyncadd.s32 $0xFFFFF830  }
0x117: {  	[tilespmem:s29], [sflag:$0x4] =	stream.indirect.gather [spmem:s3], $0x1, s11, s5, $0xb8;
	[tilespmem:$0x13B80] =	vst v63  }
0x118: {  	_ =	swait.ge @p0 [sflag:s18], $0xFA0  }
0x119: {  	s19 =	simm.s32 @p0 $0x1000;
	[sflag:s18] =	ssyncset.done @p0 $0x0  }
0x11a: {  	s20 =	simm.s32 @p0 $0x3000;
	[sflag:s18] =	ssyncadd.s32 @p0 $0xFFFFF060;
	s18 =	simm.s32 @p0 $0x7D0  }
0x11b: {  	[tilespmem:s20], [sflag:$0x2] =	stream.indirect.gather @p0 [hbm4b:s2+s18], $0x1, s19, s18, $0xb8;
	[tilespmem:$0x13B80] =	vst v63  }
0x11c: {  	s19 =	simm.s32 @p0 $0x17D0;
	s20 =	simm.s32 @p0 $0x37D0  }
0x11d: {  	[tilespmem:s20], [sflag:$0x3] =	stream.indirect.gather @p0 [hbm4b:s2+s18], $0x1, s19, s18, $0xb8;
	[tilespmem:$0x13B80] =	vst v63  }
0x11e: {  	p0 =	sgt.u32 s14, $0xB  }
0x11f: {  	s18 =	sshrl.u32 @!p0 s21, $0x3  }
0x120: {  	s15 =	sadd.s32 $0x2, s15;
	s19 =	simm.s32 @!p0 $0x0;
	s18 =	sadd.s32 @!p0 s1, s18  }
0x121: {  	[tilespmem:s19], [sflag:$0x1] =	stream.linear.gather @!p0 [hbm4b:s18+s19], $0xFA0, $0x38;
	[tilespmem:$0x13B80] =	vst v63  }
0x122: {  	p0 =	sne.s32 s15, $0x1D  }
.Ltmp7:
0x123: {  	_ = 	snop;
	(pc) =	sbr.rel @!p0 .LBB2_21-.Ltmp7, $2  }
0x124: {  	_ =	sdelay $0x2  }
0x125: {  	s22 =	sadd.s32 $0x3E8, s22;
	s14 =	sadd.s32 $0x1, s14;
	s21 =	sadd.s32 $0x1F40, s21  }
.LBB2_10:
0x126: {  	s18 =	sadd.s32 $0xFFFFFFFD, s15  }
0x127: {  	p0 =	sgt.u32 s18, $0x18  }
.Ltmp8:
0x128: {  	_ = 	snop;
	(pc) =	sbr.rel @p0 .LBB2_13-.Ltmp8, $1  }
0x129: {  	_ =	sdelay $0x3  }
0x12a: {  	s20 =	sadd.s32 $0xFFFFFFFC, s15  }
0x12b: {  	p0 =	sgt.u32 s20, $0x18  }
.Ltmp9:
0x12c: {  	_ = 	snop;
	(pc) =	sbr.rel @p0 .LBB2_14-.Ltmp9, $4  }
0x12d: {  	_ =	swait.ge [sflag:s28], $0xFA0;
	s18 =	sadd.s32 $0xFFFFC180, s21  }
0x12e: {  	[sflag:s28] =	ssyncset.done $0x0;
	s18 =	sshrl.u32 s18, $0x3  }
0x12f: {  	[sflag:s28] =	ssyncadd.s32 $0xFFFFF060;
	s18 =	sadd.s32 s6, s18  }
0x130: {  	[hbm4b:s18+s4] =	stream.linear.scatter [tilespmem:s29], [sflag:$0x5], $0xFA0, $0x38;
	[tilespmem:$0x13B80] =	vst v63  }
0x131: {  	_ =	swait.ge [sflag:s30], $0xFA0  }
0x132: {  	[sflag:s30] =	ssyncset.done $0x0  }
0x133: {  	[sflag:s30] =	ssyncadd.s32 $0xFFFFF060  }
.LBB2_13:
0x134: {  	s18 =	sadd.s32 $0xFFFFFFFE, s15  }
0x135: {  	p0 =	sgt.u32 s18, $0x18  }
.Ltmp10:
0x136: {  	_ = 	snop;
	(pc) =	sbr.rel @p0 .LBB2_15-.Ltmp10, $1  }
0x137: {  	_ =	sdelay $0x3  }
.LBB2_14:
0x138: {  	_ =	swait.ge [sflag:s31], $0x7D0  }
0x139: {  	[sflag:s31] =	ssyncset.done $0x0  }
0x13a: {  	[sflag:s31] =	ssyncadd.s32 $0xFFFFF830  }
0x13b: {  	_ =	swait.ge [sflag:s0], $0x7D0  }
0x13c: {  	[sflag:s0] =	ssyncset.done $0x0  }
0x13d: {  	[sflag:s0] =	ssyncadd.s32 $0xFFFFF830  }
0x13e: {  	[tilespmem:s8], [sflag:$0x4] =	stream.indirect.gather [spmem:s3], $0x1, s7, s5, $0xb8;
	[tilespmem:$0x13B80] =	vst v63  }
.LBB2_15:
0x13f: {  	p0 =	seq.s32 s15, $0x1B  }
.Ltmp11:
0x140: {  	_ = 	snop;
	(pc) =	sbr.rel @p0 .LBB2_23-.Ltmp11, $1  }
0x141: {  	_ =	sdelay $0x3  }
0x142: {  	_ =	swait.ge [sflag:s9], $0xFA0  }
0x143: {  	[sflag:s9] =	ssyncset.done $0x0  }
0x144: {  	[sflag:s9] =	ssyncadd.s32 $0xFFFFF060  }
0x145: {  	[tilespmem:s11], [sflag:$0x2] =	stream.indirect.gather [hbm4b:s2+s10], $0x1, s4, s10, $0xb8;
	[tilespmem:$0x13B80] =	vst v63  }
0x146: {  	p0 =	sgt.u32 s15, $0x18  }
0x147: {  	[tilespmem:s12], [sflag:$0x3] =	stream.indirect.gather [hbm4b:s2+s10], $0x1, s10, s10, $0xb8;
	[tilespmem:$0x13B80] =	vst v63  }
0x148: {  	s18 =	simm.s32 @!p0 $0x0;
	s19 =	simm.s32 @!p0 $0x1000  }
0x149: {  	[tilespmem:s19], [sflag:$0x1] =	stream.linear.gather @!p0 [hbm4b:s22+s18], $0xFA0, $0x38;
	[tilespmem:$0x13B80] =	vst v63  }
0x14a: {  	p0 =	seq.s32 s15, $0x1  }
0x14b: {  	p1 =	slt.u32 @!p0 s15, $0x1B  }
0x14c: {  	p1 =	por p0, !p1  }
.Ltmp12:
0x14d: {  	_ = 	snop;
	(pc) =	sbr.rel @!p1 .LBB2_18-.Ltmp12, $1  }
0x14e: {  	_ =	sdelay $0x3  }
.Ltmp13:
0x14f: {  	(pc) =	sbr.rel @p0 .LBB2_20-.Ltmp13, $4  }
.Ltmp14:
0x150: {  	(pc) =	sbr.rel @!p0 .LBB2_19-.Ltmp14, $4  }
0x151: {  	_ = 	snop  }
0x152: {  	_ = 	snop  }
0x153: {  	_ = 	snop  }
0x154: {  	_ = 	snop  }
.LBB2_22:
0x155: {  	_ =	sfence.sel $0x180000  }
0x156: {  	[bflag:$0x0] =	sbarrier.arrive $0xFFFF  }
0x157: {  	_ =	strace $0x90000047  }
0x158: {  	s0 =	stileid.u32;
	[bflag:$0x2] =	sbarrier.arrive $0xFFFF  }
0x159: {  	p0 =	sne.s32 s0, $0x0;
	s0 =	rddreg [dreg:$0x4]  }
0x15a: {  	s0 =	sadd.s32 @!p0 $0x100000, s0  }
0x15b: {  	[sflag:s0] =	ssyncadd.tile.s32 @!p0 $0x1;
	_ =	shalt  }
.Lfunc_end2:
_tile_overlayer_lowered:
.L_overlay_start_2:
0x15c: {  	(tag) =	ssettag $0x2  }
0x15d: {  	s0 =	rddreg [dreg:$0x0];
	s2 =	stileid.u32  }
0x15e: {  	s1 =	rddreg [dreg:$0x1];
	p0 =	sne.s32 s2, $0x0  }
0x15f: {  	s3 =	rddreg [dreg:$0x2];
	[bflag:$0x3] =	sbarrier.arrive $0xFFFF;
	s2 =	simm.s32 @!p0 $0x1C06  }
0x160: {  	[timem:s3], [sflag:s2] =	dma.local @!p0 [hbm:s0], s1  }
0x161: {  	s0 =	simm.s32 @!p0 $0x6  }
0x162: {  	_ =	swait.ge @!p0 [sflag:s0], s1  }
0x163: {  	s1 =	ssub.s32 @!p0 $0x0, s1;
	[sflag:s0] =	ssyncset.done @!p0 $0x0  }
0x164: {  	[sflag:s0] =	ssyncadd.s32 @!p0 s1  }
0x165: {  	[bflag:$0x3] =	sbarrier.arrive $0xFFFF  }
0x166: {  	_ =	shalt  }

// kernel: kernel.8.cloned.1.call-start
scs
__scs_entry_jumppad:
0x0: {  	(pc) =	sbr.rel $0x88, $3  }
0x1: {  	(tag) =	ssettag $0x0;
	lr =	simm.s32 $0x1  }
0x2: {  	[smem:$0x3F9C] =	sst lr;
	_ =	strace $0xD0000000  }
0x3: {  	_ = 	snop  }
0x4: {  	_ = 	snop  }
0x5: {  	_ = 	snop  }
0x6: {  	_ = 	snop  }
0x7: {  	_ = 	snop  }
__scs_overlays_trampoline_lowered:
0x8: {  	[smem:$0x3FAB] =	sst s0  }
0x9: {  	[smem:$0x3FAC] =	sst s1  }
0xa: {  	[smem:$0x3FAD] =	sst s2  }
0xb: {  	[smem:$0x3FAE] =	sst s3  }
0xc: {  	[smem:$0x3FAF] =	sst s4  }
0xd: {  	[smem:$0x3FB0] =	sst s5  }
0xe: {  	[smem:$0x3FB1] =	sst s6  }
0xf: {  	[smem:$0x3FB2] =	sst s7  }
0x10: {  	[smem:$0x3FB3] =	sst s8  }
0x11: {  	[smem:$0x3FB4] =	sst s9;
	s0 =	simm.s32 @!p0 $0x0  }
0x12: {  	s1 =	sld [smem:$0x3F9A];
	s0 =	simm.s32 @p0 $0x1  }
0x13: {  	[smem:$0x3FB5] =	sst s0;
	s0 =	simm.s32 @!p1 $0x0  }
0x14: {  	s2 =	sld [smem:$0x3F99];
	s0 =	simm.s32 @p1 $0x1  }
0x15: {  	[smem:$0x3FB6] =	sst s0;
	s0 =	simm.s32 @!p2 $0x0  }
0x16: {  	s3 =	sld [smem:$0x3FDB];
	s0 =	simm.s32 @p2 $0x1  }
0x17: {  	s4 =	simm.s32 $0x1BF5;
	[smem:$0x3FB8] =	sst s0  }
0x18: {  	s0 =	sld [smem:$0x3F9B];
	_ =	swait.ge [sflag:s4], $0x0  }
0x19: {  	s7 =	sld [smem:$0x3F9C]  }
0x1a: {  	s8 =	sadd.s32 $0xFFFFE003, lr  }
0x1b: {  	s9 =	sadd.s32 $0xFFFFFEF7, lr;
	s5 =	simm.s32 $0xFFFFFFFF;
	p2 =	slt.u32 s8, $0xFFFFF086  }
0x1c: {  	p1 =	slt.u32 s9, $0xF7A;
	s5 =	simm.s32 @!p2 $0x0  }
0x1d: {  	s5 =	simm.s32 @p1 $0x1;
	p0 =	seq.s32 s7, s2  }
0x1e: {  	s7 =	smul.u32 @!p0 $0xF7A, s2;
	p2 =	seq.s32 @!p0 s5, $0x0  }
0x1f: {  	s9 =	smul.u32 $0xF7A, s1;
	s8 =	simm.s32 @!p0 $0x1BF5;
	p2 =	por !p2, p0  }
0x20: {  	[sflag:s8] =	ssyncset.s32 @!p0 $0xFFFFF086;
	s6 =	sadd.s32 @!p0 s3, s7;
	s7 =	simm.s32 @!p0 $0x108  }
0x21: {  	s3 =	sadd.s32 s3, s9;
	s6 =	sadd.s32 @!p0 $0x88, s6;
	s7 =	simm.s32 @p2 $0x1082  }
0x22: {  	[simem:s7], [sflag:s8] =	dma.local @!p0 [hbm:s6], $0xF7A  }
0x23: {  	s9 =	sor.u32 $0xD0000000, s2;
	s6 =	simm.s32 $0x108;
	_ =	swait.ge @!p0 [sflag:s8], $0x0  }
0x24: {  	s3 =	sadd.s32 $0x88, s3;
	s6 =	simm.s32 @!p1 $0x1082;
	[sflag:s4] =	ssyncset.s32 $0xFFFFF086  }
0x25: {  	[simem:s6], [sflag:s4] =	dma.local [hbm:s3], $0xF7A  }
0x26: {  	[smem:$0x3F9C] =	sst s1;
	(tag) =	ssettag s2;
	_ =	strace s9  }
0x27: {  	s1 =	sld [smem:$0x3FAC]  }
0x28: {  	s2 =	sld [smem:$0x3FAD]  }
0x29: {  	s4 =	sld [smem:$0x3FAF]  }
0x2a: {  	p0 =	seq.s32 s5, $0x0;
	s5 =	sld [smem:$0x3FB0]  }
0x2b: {  	s6 =	sld [smem:$0x3FB1]  }
0x2c: {  	s7 =	sld [smem:$0x3FB2]  }
0x2d: {  	s3 =	simm.s32 $0x108;
	s8 =	sld [smem:$0x3FB3]  }
0x2e: {  	s3 =	simm.s32 @!p0 $0x1082;
	s9 =	sld [smem:$0x3FB4]  }
0x2f: {  	lr =	sadd.s32 s0, s3;
	s0 =	sld [smem:$0x3FAB]  }
0x30: {  	s3 =	sld [smem:$0x3FAE]  }
0x31: {  	[smem:$0x3FB7] =	sst s10  }
0x32: {  	s10 =	sld [smem:$0x3FB5];
	_ =	sdelay $0x3  }
0x33: {  	p0 =	seq.s32 s10, $0x1;
	s10 =	sld [smem:$0x3FB7];
	_ =	sdelay $0x3  }
0x34: {  	[smem:$0x3FB7] =	sst s10  }
0x35: {  	s10 =	sld [smem:$0x3FB6];
	_ =	sdelay $0x3  }
0x36: {  	p1 =	seq.s32 s10, $0x1;
	s10 =	sld [smem:$0x3FB7];
	_ =	sdelay $0x3  }
0x37: {  	[smem:$0x3FB7] =	sst s10  }
0x38: {  	s10 =	sld [smem:$0x3FB8]  }
0x39: {  	_ = 	snop;
	(pc) =	sbr.ind lr, $3  }
0x3a: {  	_ = 	snop  }
0x3b: {  	_ = 	snop  }
0x3c: {  	p2 =	seq.s32 s10, $0x1;
	s10 =	sld [smem:$0x3FB7]  }
0x3d: {  	_ =	shalt  }
0x3e: {  	_ =	shalt  }
0x3f: {  	_ =	shalt  }
0x40: {  	_ =	shalt  }
0x41: {  	_ =	shalt  }
0x42: {  	_ =	shalt  }
0x43: {  	_ =	shalt  }
0x44: {  	_ =	shalt  }
0x45: {  	_ =	shalt  }
0x46: {  	_ =	shalt  }
0x47: {  	_ =	shalt  }
0x48: {  	_ =	shalt  }
0x49: {  	_ =	shalt  }
0x4a: {  	_ =	shalt  }
0x4b: {  	_ =	shalt  }
0x4c: {  	_ =	shalt  }
0x4d: {  	_ =	shalt  }
0x4e: {  	_ =	shalt  }
0x4f: {  	_ =	shalt  }
0x50: {  	_ =	shalt  }
0x51: {  	_ =	shalt  }
0x52: {  	_ =	shalt  }
0x53: {  	_ =	shalt  }
0x54: {  	_ =	shalt  }
0x55: {  	_ =	shalt  }
0x56: {  	_ =	shalt  }
0x57: {  	_ =	shalt  }
0x58: {  	_ =	shalt  }
0x59: {  	_ =	shalt  }
0x5a: {  	_ =	shalt  }
0x5b: {  	_ =	shalt  }
0x5c: {  	_ =	shalt  }
0x5d: {  	_ =	shalt  }
0x5e: {  	_ =	shalt  }
0x5f: {  	_ =	shalt  }
0x60: {  	_ =	shalt  }
0x61: {  	_ =	shalt  }
0x62: {  	_ =	shalt  }
0x63: {  	_ =	shalt  }
0x64: {  	_ =	shalt  }
0x65: {  	_ =	shalt  }
0x66: {  	_ =	shalt  }
0x67: {  	_ =	shalt  }
0x68: {  	_ =	shalt  }
0x69: {  	_ =	shalt  }
0x6a: {  	_ =	shalt  }
0x6b: {  	_ =	shalt  }
0x6c: {  	_ =	shalt  }
0x6d: {  	_ =	shalt  }
0x6e: {  	_ =	shalt  }
0x6f: {  	_ =	shalt  }
0x70: {  	_ =	shalt  }
0x71: {  	_ =	shalt  }
0x72: {  	_ =	shalt  }
0x73: {  	_ =	shalt  }
0x74: {  	_ =	shalt  }
0x75: {  	_ =	shalt  }
0x76: {  	_ =	shalt  }
0x77: {  	_ =	shalt  }
0x78: {  	_ =	shalt  }
0x79: {  	_ =	shalt  }
0x7a: {  	_ =	shalt  }
0x7b: {  	_ =	shalt  }
0x7c: {  	_ =	shalt  }
0x7d: {  	_ =	shalt  }
0x7e: {  	_ =	shalt  }
0x7f: {  	_ =	shalt  }
0x80: {  	_ =	shalt  }
0x81: {  	_ =	shalt  }
0x82: {  	_ =	shalt  }
0x83: {  	_ =	shalt  }
0x84: {  	_ =	shalt  }
0x85: {  	_ =	shalt  }
0x86: {  	_ =	shalt  }
0x87: {  	_ =	shalt  }
.Lfunc_end0:
.L_simem_size_0:
called_computation.1_lowered:
.L_overlay_start_0:
0x88: {  	s2 =	sld [smem:$0x3FD9]  }
0x89: {  	s3 =	sld [smem:$0x3FFE];
	_ =	sdelay $0x1  }
0x8a: {  	s1 =	srdreg.scid  }
0x8b: {  	s0 =	sand.u32 $0x1, s1  }
0x8c: {  	s17 =	sshll.u32 s0, $0xA;
	s2 =	sadd.s32 s3, s2  }
0x8d: {  	s2 =	sadd.s32 s2, s17  }
0x8e: {  	[smem:$0x3FC3] =	sst s2  }
0x8f: {  	_ = 	snop  }
0x90: {  	s2 =	sld [smem:$0x3FD0];
	(tm) =	ssettm $0x1  }
0x91: {  	s18 =	sld [smem:$0x3FFB];
	_ =	sdelay $0x3  }
0x92: {  	_ =	strace s18  }
0x93: {  	s3 =	sld [smem:$0x3FFC];
	_ =	sdelay $0x3  }
0x94: {  	_ =	strace s3  }
0x95: {  	s3 =	sld [smem:$0x3FFD];
	_ =	sdelay $0x3  }
0x96: {  	_ =	strace s3  }
0x97: {  	_ =	strace $0x8FFFFFFF  }
0x98: {  	s19 =	sld [smem:$0x3FDB];
	_ =	sdelay $0x1  }
0x99: {  	s4 =	simm.s32 $_scs_section_size  }
0x9a: {  	s5 =	simm.s32 $_size__tile_overlayer_lowered;
	s6 =	simm.s32 $_tile_overlayer_lowered  }
0x9b: {  	s22 =	simm.s32 $0x1BFF;
	s21 =	sshll.u32 s6, $0x1;
	s3 =	sadd.s32 s4, s19  }
0x9c: {  	s7 =	simm.s32 $0x0;
	s20 =	sshll.u32 s5, $0x1;
	s5 =	sadd.s32 s21, s3  }
0x9d: {  	[timem:s7], [sflag:s22] =	dma.local [hbm:s5], s20  }
0x9e: {  	_ =	swait.ge [sflag:s22], s20  }
0x9f: {  	s4 =	ssub.s32 $0x0, s20;
	[sflag:s22] =	ssyncset.done $0x0  }
0xa0: {  	[sflag:s22] =	ssyncadd.s32 s4;
	_ =	sdelay $0x1  }
0xa1: {  	s23 =	simm.s32 $0x1B8B  }
0xa2: {  	_ =	swait.ge [sflag:s23], $0x1  }
0xa3: {  	[sflag:s23] =	ssyncset.done $0x0  }
0xa4: {  	s25 =	simm.s32 $0x1B8E;
	s24 =	sld [smem:$0x3FFE];
	[sflag:s23] =	ssyncadd.s32 $0xFFFFFFFF  }
0xa5: {  	s26 =	simm.s32 $execute0_lowered;
	[smem:$0x3FD2] =	sst s25  }
0xa6: {  	s5 =	sshll.u32 s26, $0x1;
	_ =	strace $0x80000049;
	[dreg:$0x1] =	wrdreg $0xFFFFFFFF  }
0xa7: {  	s28 =	simm.s32 $_size_execute0_lowered;
	s3 =	sadd.s32 s3, s5;
	[dreg:$0x0] =	wrdreg $0x0  }
0xa8: {  	s5 =	sshll.u32 s28, $0x1;
	[dreg:$0x2] =	wrdreg s3  }
0xa9: {  	[dreg:$0x3] =	wrdreg s5  }
0xaa: {  	[dreg:$0x4] =	wrdreg $0xC0  }
0xab: {  	_ =	task [dreg:s7], $0x5FFFF  }
0xac: {  	[dreg:$0x1] =	wrdreg $0xFFFFFFFF  }
0xad: {  	[dreg:$0x0] =	wrdreg $0x60  }
0xae: {  	[dreg:$0x2] =	wrdreg s24  }
0xaf: {  	[dreg:$0x3] =	wrdreg s2  }
0xb0: {  	[dreg:$0x4] =	wrdreg $0x9  }
0xb1: {  	_ =	task.clear_ibuf [dreg:s7], $0x5FFFF;
	_ =	strace $0x90000049  }
0xb2: {  	s29 =	simm.s32 $0x9;
	_ =	strace $0x8000004B  }
0xb3: {  	_ =	swait.ge [sflag:s29], $0x1  }
0xb4: {  	[sflag:s29] =	ssyncadd.s32 $0xFFFFFFFF  }
0xb5: {  	_ =	strace $0x9000004B  }
0xb6: {  	_ =	sfence  }
0xb7: {  	s30 =	sld [smem:$0x0];
	_ =	sdelay $0x2  }
0xb8: {  	s31 =	sshll.u32 s1, $0xD;
	s1 =	sshrl.u32 s1, $0x2  }
0xb9: {  	s3 =	sand.u32 $0x4000, s31;
	s1 =	sadd.s32 s1, s30  }
0xba: {  	s0 =	sor.u32 s3, s0;
	s1 =	sshll.u32 s1, $0x11  }
0xbb: {  	s0 =	sor.u32 s1, s0  }
0xbc: {  	s0 =	sadd.s32 $0x8F2B, s0  }
0xbd: {  	[sflag:s0] =	ssyncadd.remote.s32 $0x1  }
0xbe: {  	_ =	sfence.sel $0xFFFF  }
0xbf: {  	[dreg:$0x0] =	wrdreg $0xFFFFFFFF;
	(pc) =	sbr.abs _section_cstart, $3  }
0xc0: {  	[dreg:$0x1] =	wrdreg $0xFFFFFFFF  }
0xc1: {  	_ =	task.clear_ibuf [dreg:s7], $0x2FFFF;
	_ =	strace $0x9FFFFFFF  }
0xc2: {  	(tm) =	ssettm $0x7FFFFFFF  }
0xc3: {  	_ =	shalt  }
tec
execute0_lowered:
.L_overlay_start_1:
0x0: {  	(tag) =	ssettag $0x1  }
0x1: {  	s0 =	srdreg.scid;
	s4 =	rddreg [dreg:$0x0]  }
0x2: {  	s6 =	rddreg [dreg:$0x1];
	s1 =	stileid.u32  }
0x3: {  	s2 =	simm.s32 $0x0;
	s11 =	simm.s32 $0x1900;
	s5 =	sand.u32 $0x1, s0  }
0x4: {  	s12 =	simm.s32 $0x1;
	s13 =	simm.s32 $0x2580;
	s3 =	sshll.u32 s5, $0x4  }
0x5: {  	s0 =	rddreg [dreg:$0x2];
	s10 =	smul.u32 $0xC40, s1;
	s3 =	sor.u32 s1, s3  }
0x6: {  	s14 =	simm.s32 $0x0;
	[smem:$0x7FF] =	sst s2;
	s7 =	smul.u32 $0xC40, s3  }
0x7: {  	_ =	strace $0x8000004A;
	s8 =	ssub.s32 $0x2, s5;
	s9 =	smul.u32 $0xC400, s5  }
0x8: {  	s31 =	sshrl.u32 s8, $0x1;
	s3 =	sadd.s32 $0xC00, s4;
	s7 =	sshrl.u32 s7, $0x3  }
0x9: {  	s8 =	ssub.s32 s8, s31;
	s4 =	sadd.s32 s7, s4;
	s5 =	sadd.s32 s6, s7  }
0xa: {  	s6 =	smax.u32 s8, $0x1;
	s7 =	sadd.s32 s10, s9;
	s8 =	simm.s32 $0x2  }
0xb: {  	s9 =	simm.s32 $0xC50;
	s10 =	simm.s32 $0xC80;
	s4 =	sadd.s32 $0x81E00, s4  }
.LBB2_1:
0xc: {  	[tilespmem:s2], [sflag:$0x2] =	stream.linear.gather [hbm4b:s4+s2], $0xC50, $0x38;
	[tilespmem:$0x3200] =	vst v63  }
0xd: {  	_ =	swait.ge [sflag:s8], $0xC50  }
0xe: {  	[sflag:s8] =	ssyncset.done $0x0  }
0xf: {  	s15 =	simm.s32 $0x0;
	[sflag:s8] =	ssyncadd.s32 $0xFFFFF3B0  }
0x10: {  	s16 =	simm.s32 $0x40;
	v0 =	vld [tilespmem:s15+$0x0]  }
.LBB2_2:
0x11: {  	_ =	sdelay $0x1  }
0x12: {  	p0 =	sne.s32 s16, $0x3100  }
.Ltmp0:
0x13: {  	_ = 	snop;
	(pc) =	sbr.rel @p0 .LBB2_2-.Ltmp0, $4  }
0x14: {  	v1 =	vadd.s32 $0xFFFFFFFF, v0  }
0x15: {  	vm0 =	vgt.s32 v1, $0x0  }
0x16: {  	s17 =	sshra.s32 s16, $0x2;
	v1 =	vnsel vm0, $0x0, v1  }
0x17: {  	s16 =	sadd.s32 $0x40, s16;
	v0 =	vld [tilespmem:s17+$0x0];
	[tilespmem:s15+$0xC80] =	vst v1;
	s15 =	smov.u32 s17  }
0x18: {  	_ =	sdelay $0x3  }
0x19: {  	v0 =	vadd.s32 $0xFFFFFFFF, v0  }
0x1a: {  	vm0 =	vgt.s32 v0, $0x0  }
0x1b: {  	v0 =	vnsel vm0, $0x0, v0  }
0x1c: {  	[tilespmem:s15+$0xC80] =	vst v0  }
0x1d: {  	[tilespmem:s11], [sflag:$0x1] =	stream.indirect.gather [hbm4b:s3+s9], $0x1, s10, s9, $0xb8;
	[tilespmem:$0x3200] =	vst v63  }
0x1e: {  	_ =	swait.ge [sflag:s12], $0xC50  }
0x1f: {  	[sflag:s12] =	ssyncset.done $0x0  }
0x20: {  	s15 =	simm.s32 $0x0;
	[sflag:s12] =	ssyncadd.s32 $0xFFFFF3B0  }
0x21: {  	v3 =	vld [tilespmem:s15+$0x1900]  }
0x22: {  	v2 =	vld [tilespmem:s15+$0x0]  }
0x23: {  	v4 =	vld [tilespmem:s15+$0x1]  }
0x24: {  	v5 =	vld [tilespmem:s15+$0x1901];
	_ =	sdelay $0x1  }
0x25: {  	s16 =	simm.s32 $0x10  }
0x26: {  	v0 =	vld [tilespmem:s16+$0x1900]  }
0x27: {  	v1 =	vld [tilespmem:s16+$0x0];
	vm15 =	veq.s32 v2, $0x0;
	vm1 =	veq.s32 v4, $0x0  }
0x28: {  	v2 =	vld [tilespmem:s16+$0x1];
	v4 =	vsel vm15, $0x0, v3;
	v5 =	vsel vm1, $0x0, v5  }
0x29: {  	v3 =	vld [tilespmem:s16+$0x1901];
	v4 =	vsub.f32 v5, v4  }
0x2a: {  	s18 =	simm.s32 $0x80;
	p1 =	slt.u32 s7, $0x15F90;
	s17 =	smov.u32 s7  }
.LBB2_4:
0x2b: {  	s19 =	sshra.s32 s18, $0x2;
	v4 =	vpsel !p1, $0x0, v4;
	v5 =	vmov v0;
	p0 =	sne.s32 s18, $0x30C0  }
.Ltmp1:
0x2c: {  	v0 =	vld [tilespmem:s19+$0x1900];
	[tilespmem:s15+$0x2580] =	vst v4;
	s15 =	smov.u32 s16;
	s16 =	smov.u32 s19;
	(pc) =	sbr.rel @p0 .LBB2_4-.Ltmp1, $4  }
0x2d: {  	s18 =	sadd.s32 $0x40, s18;
	vm0 =	veq.s32 v1, $0x0;
	v1 =	vld [tilespmem:s16+$0x0];
	vm1 =	veq.s32 v2, $0x0  }
0x2e: {  	v4 =	vsel vm0, $0x0, v5;
	v2 =	vld [tilespmem:s16+$0x1];
	v5 =	vsel vm1, $0x0, v3  }
0x2f: {  	s17 =	sadd.s32 $0x10, s17;
	v3 =	vld [tilespmem:s16+$0x1901];
	v4 =	vsub.f32 v5, v4  }
0x30: {  	p1 =	slt.u32 s17, $0x15F90  }
0x31: {  	_ =	sdelay $0x1  }
0x32: {  	vm0 =	veq.s32 v1, $0x0;
	vm1 =	veq.s32 v2, $0x0  }
0x33: {  	v0 =	vsel vm0, $0x0, v0;
	v62 =	vsel vm1, $0x0, v3  }
0x34: {  	s17 =	sadd.s32 $0x10, s17;
	v0 =	vsub.f32 v62, v0  }
0x35: {  	v63 =	vpsel !p1, $0x0, v4;
	s14 =	sadd.s32 $0x1, s14;
	p0 =	slt.u32 s17, $0x15F90  }
0x36: {  	[tilespmem:s15+$0x2580] =	vst v63;
	v0 =	vpsel !p0, $0x0, v0;
	p0 =	sne.s32 s14, s6  }
.Ltmp2:
0x37: {  	[tilespmem:s16+$0x2580] =	vst v0;
	(pc) =	sbr.rel @p0 .LBB2_1-.Ltmp2, $4  }
0x38: {  	[hbm4b:s5+s2] =	stream.linear.scatter [tilespmem:s13], [sflag:$0x2], $0xC40, $0x38;
	[tilespmem:$0x3200] =	vst v63  }
0x39: {  	_ =	swait.ge [sflag:s8], $0xC40  }
0x3a: {  	[sflag:s8] =	ssyncset.done $0x0  }
0x3b: {  	[sflag:s8] =	ssyncadd.s32 $0xFFFFF3C0  }
0x3c: {  	_ =	sfence.sel $0x180000  }
0x3d: {  	[bflag:$0x0] =	sbarrier.arrive $0xFFFF  }
0x3e: {  	p0 =	sne.s32 s1, $0x0;
	_ =	strace $0x9000004A  }
0x3f: {  	s0 =	sadd.s32 @!p0 $0x100000, s0;
	[bflag:$0x2] =	sbarrier.arrive $0xFFFF  }
0x40: {  	[sflag:s0] =	ssyncadd.tile.s32 @!p0 $0x1;
	_ =	shalt  }
.Lfunc_end2:
_tile_overlayer_lowered:
.L_overlay_start_2:
0x41: {  	(tag) =	ssettag $0x2  }
0x42: {  	s0 =	rddreg [dreg:$0x0];
	s2 =	stileid.u32  }
0x43: {  	s1 =	rddreg [dreg:$0x1];
	p0 =	sne.s32 s2, $0x0  }
0x44: {  	s3 =	rddreg [dreg:$0x2];
	[bflag:$0x3] =	sbarrier.arrive $0xFFFF;
	s2 =	simm.s32 @!p0 $0x1C02  }
0x45: {  	[timem:s3], [sflag:s2] =	dma.local @!p0 [hbm:s0], s1  }
0x46: {  	s0 =	simm.s32 @!p0 $0x2  }
0x47: {  	_ =	swait.ge @!p0 [sflag:s0], s1  }
0x48: {  	s1 =	ssub.s32 @!p0 $0x0, s1;
	[sflag:s0] =	ssyncset.done @!p0 $0x0  }
0x49: {  	[sflag:s0] =	ssyncadd.s32 @!p0 s1  }
0x4a: {  	[bflag:$0x3] =	sbarrier.arrive $0xFFFF  }
0x4b: {  	_ =	shalt  }

</sc_bundles>
